<compile_context>
chip_gen: v7x
topology: tpu7x:2x2x1
jax: 0.10.2.dev20260603
libtpu: 0.0.44.dev20260713+nightly
codegen_flags: <defaults>
</compile_context>

<pallas_src>
import jax
import jax.numpy as jnp
from jax import lax
from jax.experimental import pallas as pl
from jax.experimental.pallas import tpu as pltpu
from jax.experimental.pallas import tpu_sc as plsc

N = 10000
E = 320000
D = 128
DE = 16
OUT = 128
NEG_SLOPE = 0.2

NTILES = 16
CHUNK = 64
NCHUNKS = (E // 2) // CHUNK
CPT = (NCHUNKS + NTILES - 1) // NTILES
ROWS_PT = 632
ROWS_LAST = N - 15 * ROWS_PT


def _foreach_tile_rows(sid, fn):
    rb = pl.multiple_of(sid * ROWS_PT, 8)

    @pl.when(sid < NTILES - 1)
    def _():
        fn(rb, ROWS_PT)

    @pl.when(sid == NTILES - 1)
    def _():
        fn((NTILES - 1) * ROWS_PT, ROWS_LAST)



def _node_proj_body(feat_ref, ws_ref, was_ref, wad_ref, fc_ref, cat_ref):
    x = feat_ref[...]
    dn = (((1,), (1,)), ((), ()))
    fc_ref[...] = lax.dot_general(x, ws_ref[...], dn)
    cat_ref[0] = lax.dot_general(x, was_ref[...], dn)
    cat_ref[1] = lax.dot_general(x, wad_ref[...], dn)


def _edge_proj_body(fe_ref, we_ref, ae_ref):
    ae_ref[...] = lax.dot_general(fe_ref[...], we_ref[...],
                                  (((1,), (1,)), ((), ())))


def _mid_body(sdst_ref, ssrc_ref, fc_ref, cat_ref):
    cat_ref[0] = lax.rsqrt(sdst_ref[0] + sdst_ref[1])
    cat_ref[1] = fc_ref[...] * lax.rsqrt(ssrc_ref[0] + ssrc_ref[1])


def _post_body(msg_ref, feat_ref, wagg_ref, bagg_ref, wdst_ref, bdst_ref,
               scale_ref, offset_ref, out_ref):
    x = msg_ref[0] + msg_ref[1]
    mean = jnp.mean(x, axis=-1, keepdims=True)
    xc = x - mean
    var = jnp.mean(xc * xc, axis=-1, keepdims=True) + 1e-9
    h = xc * scale_ref[...] * lax.rsqrt(var) + offset_ref[...]
    dn = (((1,), (1,)), ((), ()))
    y = lax.dot_general(h, wagg_ref[...], dn) + bagg_ref[...]
    y = y + lax.dot_general(feat_ref[...], wdst_ref[...], dn) + bdst_ref[...]
    out_ref[...] = y



def _sc_pass_a1(cat, aedge, comb, dsti, zer,
                eexp, sdst,
                idx_g, idx_d, rr, re, ev, sem1,
                acc_sh):
    c = lax.axis_index("c")
    sid = lax.axis_index("s")
    cb = pl.multiple_of(c * NCHUNKS, 4)
    cn = pl.multiple_of(c * N, 8)

    def init(rbw, nr):
        pltpu.sync_copy(zer.at[pl.ds(0, nr)], acc_sh.at[pl.ds(rbw, nr)])

    _foreach_tile_rows(sid, init)
    plsc.subcore_barrier()

    def chunk_body(ci, carry):
        cid = ci * NTILES + sid

        @pl.when(cid < NCHUNKS)
        def _():
            blk = cb + cid
            goff = pl.multiple_of(blk * 2 * CHUNK, 128)
            eoff = pl.multiple_of(blk * CHUNK, 8)
            pltpu.sync_copy(comb.at[pl.ds(goff, 2 * CHUNK)], idx_g)
            pltpu.sync_copy(dsti.at[pl.ds(eoff, CHUNK)], idx_d)
            pltpu.async_copy(cat.at[idx_g], rr, sem1).wait()
            pltpu.sync_copy(aedge.at[pl.ds(eoff, CHUNK)], re)

            def row(i, carry2):
                for j in range(OUT // 16):
                    sl = pl.ds(j * 16, 16)
                    v = rr[i, sl] + rr[i + CHUNK, sl] + re[i, sl]
                    v = jnp.where(v >= 0.0, v, NEG_SLOPE * v)
                    ev[i, sl] = jnp.exp(v)
                return carry2

            lax.fori_loop(0, CHUNK, row, 0)
            pltpu.sync_copy(ev, eexp.at[pl.ds(eoff, CHUNK)])
            pltpu.sync_copy(ev, acc_sh.at[idx_d], add=True)

        return carry

    lax.fori_loop(0, CPT, chunk_body, 0)
    plsc.subcore_barrier()

    def writeout(rbw, nr):
        dst_off = pl.multiple_of(cn + rbw, 8)
        pltpu.sync_copy(acc_sh.at[pl.ds(rbw, nr)], sdst.at[pl.ds(dst_off, nr)])

    _foreach_tile_rows(sid, writeout)


def _sc_pass_a2(eexp, srci, zer,
                ssrc,
                idx_s, ev,
                acc_sh):
    c = lax.axis_index("c")
    sid = lax.axis_index("s")
    cb = pl.multiple_of(c * NCHUNKS, 4)
    cn = pl.multiple_of(c * N, 8)

    def init(rbw, nr):
        pltpu.sync_copy(zer.at[pl.ds(0, nr)], acc_sh.at[pl.ds(rbw, nr)])

    _foreach_tile_rows(sid, init)
    plsc.subcore_barrier()

    def chunk_body(ci, carry):
        cid = ci * NTILES + sid

        @pl.when(cid < NCHUNKS)
        def _():
            eoff = pl.multiple_of((cb + cid) * CHUNK, 8)
            pltpu.sync_copy(srci.at[pl.ds(eoff, CHUNK)], idx_s)
            pltpu.sync_copy(eexp.at[pl.ds(eoff, CHUNK)], ev)
            pltpu.sync_copy(ev, acc_sh.at[idx_s], add=True)

        return carry

    lax.fori_loop(0, CPT, chunk_body, 0)
    plsc.subcore_barrier()

    def writeout(rbw, nr):
        dst_off = pl.multiple_of(cn + rbw, 8)
        pltpu.sync_copy(acc_sh.at[pl.ds(rbw, nr)], ssrc.at[pl.ds(dst_off, nr)])

    _foreach_tile_rows(sid, writeout)


def _sc_pass_b(catb, eexp, comb, dsti, zer,
               msg,
               idx_g, idx_d, rr, ev, sem1,
               acc_sh):
    c = lax.axis_index("c")
    sid = lax.axis_index("s")
    cb = pl.multiple_of(c * NCHUNKS, 4)
    cn = pl.multiple_of(c * N, 8)

    def init(rbw, nr):
        pltpu.sync_copy(zer.at[pl.ds(0, nr)], acc_sh.at[pl.ds(rbw, nr)])

    _foreach_tile_rows(sid, init)
    plsc.subcore_barrier()

    def chunk_body(ci, carry):
        cid = ci * NTILES + sid

        @pl.when(cid < NCHUNKS)
        def _():
            blk = cb + cid
            goff = pl.multiple_of(blk * 2 * CHUNK, 128)
            eoff = pl.multiple_of(blk * CHUNK, 8)
            pltpu.sync_copy(comb.at[pl.ds(goff, 2 * CHUNK)], idx_g)
            pltpu.sync_copy(dsti.at[pl.ds(eoff, CHUNK)], idx_d)
            pltpu.async_copy(catb.at[idx_g], rr, sem1).wait()
            pltpu.sync_copy(eexp.at[pl.ds(eoff, CHUNK)], ev)

            def row(i, carry2):
                for j in range(OUT // 16):
                    sl = pl.ds(j * 16, 16)
                    ev[i, sl] = ev[i, sl] * rr[i, sl] * rr[i + CHUNK, sl]
                return carry2

            lax.fori_loop(0, CHUNK, row, 0)
            pltpu.sync_copy(ev, acc_sh.at[idx_d], add=True)

        return carry

    lax.fori_loop(0, CPT, chunk_body, 0)
    plsc.subcore_barrier()

    def writeout(rbw, nr):
        dst_off = pl.multiple_of(cn + rbw, 8)
        pltpu.sync_copy(acc_sh.at[pl.ds(rbw, nr)], msg.at[pl.ds(dst_off, nr)])

    _foreach_tile_rows(sid, writeout)



_SC_MESH = plsc.VectorSubcoreMesh(core_axis_name="c", subcore_axis_name="s")

_pass_a1_call = pl.kernel(
    _sc_pass_a1,
    out_type=(
        jax.ShapeDtypeStruct((E, OUT), jnp.float32),
        jax.ShapeDtypeStruct((2 * N, OUT), jnp.float32),
    ),
    mesh=_SC_MESH,
    scratch_types=(
        pltpu.VMEM((2 * CHUNK,), jnp.int32),
        pltpu.VMEM((CHUNK,), jnp.int32),
        pltpu.VMEM((2 * CHUNK, OUT), jnp.float32),
        pltpu.VMEM((CHUNK, OUT), jnp.float32),
        pltpu.VMEM((CHUNK, OUT), jnp.float32),
        pltpu.SemaphoreType.DMA,
        pltpu.VMEM_SHARED((N, OUT), jnp.float32),
    ),
)

_pass_a2_call = pl.kernel(
    _sc_pass_a2,
    out_type=jax.ShapeDtypeStruct((2 * N, OUT), jnp.float32),
    mesh=_SC_MESH,
    scratch_types=(
        pltpu.VMEM((CHUNK,), jnp.int32),
        pltpu.VMEM((CHUNK, OUT), jnp.float32),
        pltpu.VMEM_SHARED((N, OUT), jnp.float32),
    ),
)

_pass_b_call = pl.kernel(
    _sc_pass_b,
    out_type=jax.ShapeDtypeStruct((2 * N, OUT), jnp.float32),
    mesh=_SC_MESH,
    scratch_types=(
        pltpu.VMEM((2 * CHUNK,), jnp.int32),
        pltpu.VMEM((CHUNK,), jnp.int32),
        pltpu.VMEM((2 * CHUNK, OUT), jnp.float32),
        pltpu.VMEM((CHUNK, OUT), jnp.float32),
        pltpu.SemaphoreType.DMA,
        pltpu.VMEM_SHARED((N, OUT), jnp.float32),
    ),
)

_BN = 2000
_BE = 4000


def kernel(feat_src, edge_index, feat_edge, W_src, W_dst, b_dst,
           W_attn_src, W_attn_dst, W_attn_edge, W_agg, b_agg,
           scale, offset):
    src = edge_index[0].astype(jnp.int32)
    dst = edge_index[1].astype(jnp.int32)
    zer = jnp.zeros((ROWS_PT, OUT), jnp.float32)
    comb_a = jnp.concatenate(
        [src.reshape(-1, CHUNK), dst.reshape(-1, CHUNK) + N],
        axis=1).reshape(-1)
    comb_b = jnp.concatenate(
        [dst.reshape(-1, CHUNK), src.reshape(-1, CHUNK) + N],
        axis=1).reshape(-1)

    wfull = pl.BlockSpec((D, D), lambda i: (0, 0))
    nblk = pl.BlockSpec((_BN, D), lambda i: (i, 0))
    cat_blk = pl.BlockSpec((2, _BN, D), lambda i: (0, i, 0))
    fc, cat = pl.pallas_call(
        _node_proj_body,
        grid=(N // _BN,),
        in_specs=[nblk, wfull, wfull, wfull],
        out_specs=[nblk, cat_blk],
        out_shape=[jax.ShapeDtypeStruct((N, D), jnp.float32),
                   jax.ShapeDtypeStruct((2, N, D), jnp.float32)],
    )(feat_src, W_src, W_attn_src, W_attn_dst)

    aedge = pl.pallas_call(
        _edge_proj_body,
        grid=(E // _BE,),
        in_specs=[pl.BlockSpec((_BE, DE), lambda i: (i, 0)),
                  pl.BlockSpec((OUT, DE), lambda i: (0, 0))],
        out_specs=pl.BlockSpec((_BE, OUT), lambda i: (i, 0)),
        out_shape=jax.ShapeDtypeStruct((E, OUT), jnp.float32),
    )(feat_edge, W_attn_edge)

    eexp, sdst = _pass_a1_call(cat.reshape(2 * N, D), aedge, comb_a, dst, zer)
    ssrc = _pass_a2_call(eexp, src, zer)

    part_n = pl.BlockSpec((2, _BN, OUT), lambda i: (0, i, 0))
    catb = pl.pallas_call(
        _mid_body,
        grid=(N // _BN,),
        in_specs=[part_n, part_n, nblk],
        out_specs=cat_blk,
        out_shape=jax.ShapeDtypeStruct((2, N, D), jnp.float32),
    )(sdst.reshape(2, N, OUT), ssrc.reshape(2, N, OUT), fc)

    msg = _pass_b_call(catb.reshape(2 * N, D), eexp, comb_b, dst, zer)

    vec = pl.BlockSpec((1, OUT), lambda i: (0, 0))
    out = pl.pallas_call(
        _post_body,
        grid=(N // _BN,),
        in_specs=[part_n, nblk, wfull, vec, wfull, vec, vec, vec],
        out_specs=pl.BlockSpec((_BN, OUT), lambda i: (i, 0)),
        out_shape=jax.ShapeDtypeStruct((N, OUT), jnp.float32),
    )(msg.reshape(2, N, OUT), feat_src, W_agg, b_agg.reshape(1, OUT),
      W_dst, b_dst.reshape(1, OUT), scale, offset)
    return out

# --- scband reference (transcript-rebuilt; emitter-appended) ---
"""Pipeline reference for scband-gipaconv-33217277067275 (READ-ONLY COPY).

The authoritative reference and input builder live on the scoring server;
editing this copy changes nothing except your own understanding.
"""

import jax, jax.numpy as jnp
import numpy as np

N = 10000
E = 320000
D = 128
DE = 16
OUT = 128
NEG_SLOPE = 0.2


def _xavier(key, shape):
    gain = float(np.sqrt(2.0))  # calculate_gain('relu')
    fan_out, fan_in = shape
    std = gain * float(np.sqrt(2.0 / (fan_in + fan_out)))
    return jax.random.normal(key, shape, jnp.float32) * std


def setup_inputs(seed: int = 0) -> dict:
    key = jax.random.key(seed)
    ks = jax.random.split(key, 12)
    feat_src = jax.random.normal(ks[0], (N, D), jnp.float32)
    edge_index = jax.random.randint(ks[1], (2, E), 0, N, jnp.int32).astype(jnp.int64)
    feat_edge = jax.random.normal(ks[2], (E, DE), jnp.float32)
    W_src = _xavier(ks[3], (OUT, D))
    W_dst = _xavier(ks[4], (OUT, D))
    b_dst = jnp.zeros((OUT,), jnp.float32)
    W_attn_src = _xavier(ks[5], (OUT, D))
    W_attn_dst = _xavier(ks[6], (OUT, D))
    W_attn_edge = _xavier(ks[7], (OUT, DE))
    W_agg = _xavier(ks[8], (OUT, OUT))
    b_agg = jnp.zeros((OUT,), jnp.float32)
    scale = jnp.ones((1, OUT), jnp.float32)
    offset = jnp.zeros((1, OUT), jnp.float32)
    return {
        "feat_src": feat_src,
        "edge_index": edge_index,
        "feat_edge": feat_edge,
        "W_src": W_src,
        "W_dst": W_dst,
        "b_dst": b_dst,
        "W_attn_src": W_attn_src,
        "W_attn_dst": W_attn_dst,
        "W_attn_edge": W_attn_edge,
        "W_agg": W_agg,
        "b_agg": b_agg,
        "scale": scale,
        "offset": offset,
    }


def _leaky_relu(x, slope):
    return jnp.where(x >= 0, x, slope * x)


def _edge_softmax(e, idx, n_seg):
    # segment-wise softmax over edges grouped by idx (src or dst node)
    m = jax.ops.segment_max(e, idx, num_segments=n_seg)
    ex = jnp.exp(e - m[idx])
    s = jax.ops.segment_sum(ex, idx, num_segments=n_seg)
    return ex / s[idx]


def reference(feat_src, edge_index, feat_edge, W_src, W_dst, b_dst,
              W_attn_src, W_attn_dst, W_attn_edge, W_agg, b_agg,
              scale, offset):
    n_nodes = feat_src.shape[0]
    src = edge_index[0]
    dst = edge_index[1]
    # feat_dst == feat_src (graph is not a block)
    feat_src_fc = feat_src @ W_src.T                      # [N, OUT]
    attn_src = feat_src @ W_attn_src.T                    # [N, OUT]
    attn_dst = feat_src @ W_attn_dst.T                    # [N, OUT]
    attn_edge = feat_edge @ W_attn_edge.T                 # [E, OUT]
    # u_add_v + edge attention
    e = attn_src[src] + attn_dst[dst] + attn_edge         # [E, OUT]
    e = _leaky_relu(e, NEG_SLOPE)
    # eval mode: edge_drop inactive, all edges kept
    a_dst = jnp.clip(_edge_softmax(e, dst, n_nodes), 1e-9, None)
    a_src = jnp.clip(_edge_softmax(e, src, n_nodes), 1e-9, None)
    a = jnp.sqrt(a_dst * a_src)                           # both_softmax
    # u_mul_e + sum aggregation to dst
    msg = feat_src_fc[src] * a                            # [E, OUT]
    msg_sum = jax.ops.segment_sum(msg, dst, num_segments=n_nodes)  # [N, OUT]
    # agg_function with custom per-row norm (keepdims so broadcast works)
    mean = jnp.mean(msg_sum, axis=-1, keepdims=True)
    var = jnp.var(msg_sum, axis=-1, keepdims=True) + 1e-9
    h = (msg_sum - mean) * scale * jax.lax.rsqrt(var) + offset
    rst = h @ W_agg.T + b_agg
    rst = rst + (feat_src @ W_dst.T + b_dst)
    return rst

if __name__ == "__main__":
    import jax
    _d = setup_inputs()
    print(jax.jit(kernel)(*tuple(_d.values())))

</pallas_src>

<mosaic_0001>
#map = affine_map<(d0, d1) -> (0, 0)>
#map1 = affine_map<(d0, d1) -> (0)>
module attributes {stable_mosaic.version = 14 : i64} {
  func.func @_sc_pass_a2(%arg0: i32, %arg1: i32, %arg2: memref<320000x128xf32, #tpu.memory_space<hbm>>, %arg3: memref<320000xi32, #tpu.memory_space<hbm>>, %arg4: memref<632x128xf32, #tpu.memory_space<hbm>>, %arg5: memref<20000x128xf32, #tpu.memory_space<hbm>>, %arg6: memref<64xi32, #tpu.memory_space<vmem>>, %arg7: memref<64x128xf32, #tpu.memory_space<vmem>>, %arg8: memref<10000x128xf32, #tpu.memory_space<vmem_shared>>) attributes {dimension_semantics = [#tpu.dimension_semantics<core_parallel>, #tpu.dimension_semantics<subcore_parallel>], iteration_bounds = array<i64: 2, 16>, scalar_prefetch = 0 : i64, scratch_operands = 3 : i64, tpu.core_type = #tpu.core_type<sc_vector_subcore>, window_params = [{transform_indices = #map}, {transform_indices = #map1}, {transform_indices = #map}, {transform_indices = #map}]} {
    %mul3A = arith.constant 2500 : i32
    %mul3A_0 = arith.muli %arg0, %mul3A : i32
    %multiple_of3A = tpu.assume_multiple %mul3A_0, 4 : i32
    %mul3A_1 = arith.constant 10000 : i32
    %mul3A_2 = arith.muli %arg0, %mul3A_1 : i32
    %multiple_of3A_3 = tpu.assume_multiple %mul3A_2, 8 : i32
    %mul3A_4 = arith.constant 632 : i32
    %mul3A_5 = arith.muli %arg1, %mul3A_4 : i32
    %multiple_of3A_6 = tpu.assume_multiple %mul3A_5, 8 : i32
    %lt3A = arith.constant 15 : i32
    %lt3A_7 = arith.cmpi slt, %arg1, %lt3A : i32
    %convert_element_type3A = arith.extui %lt3A_7 : i1 to i32
    %cond3A = arith.constant 0 : i32
    %cond3A_8 = arith.cmpi ne, %convert_element_type3A, %cond3A : i32
    scf.if %cond3A_8 {
      "tpu.region"() ({
        %run_scoped3A = tpu.sem_alloc : memref<!tpu.dma_semaphore, #tpu.memory_space<semaphore_mem>>
        %dma_start3A = arith.constant 0 : i32
        %dma_start3A_32 = tpu.memref_slice %arg8[%multiple_of3A_6, %dma_start3A] : memref<10000x128xf32, #tpu.memory_space<vmem_shared>> -> memref<632x128xf32, #tpu.memory_space<vmem_shared>>
        %dma_start3A_33 = arith.constant 0 : i32
        %dma_start3A_34 = arith.constant 0 : i32
        %dma_start3A_35 = tpu.memref_slice %arg4[%dma_start3A_33, %dma_start3A_34] : memref<632x128xf32, #tpu.memory_space<hbm>> -> memref<632x128xf32, #tpu.memory_space<hbm>>
        tpu.enqueue_dma source(%dma_start3A_35 : memref<632x128xf32, #tpu.memory_space<hbm>>) target(%dma_start3A_32 : memref<632x128xf32, #tpu.memory_space<vmem_shared>>) target_semaphore(%run_scoped3A : memref<!tpu.dma_semaphore, #tpu.memory_space<semaphore_mem>>)
        %dma_wait3A = arith.constant 0 : i32
        %dma_wait3A_36 = tpu.memref_slice %arg8[%multiple_of3A_6, %dma_wait3A] : memref<10000x128xf32, #tpu.memory_space<vmem_shared>> -> memref<632x128xf32, #tpu.memory_space<vmem_shared>>
        %dma_wait3A_37 = arith.constant 0 : i32
        %dma_wait3A_38 = arith.constant 0 : i32
        %dma_wait3A_39 = tpu.memref_slice %arg4[%dma_wait3A_37, %dma_wait3A_38] : memref<632x128xf32, #tpu.memory_space<hbm>> -> memref<632x128xf32, #tpu.memory_space<hbm>>
        tpu.wait_dma2 semaphore(%run_scoped3A : memref<!tpu.dma_semaphore, #tpu.memory_space<semaphore_mem>>) src(%dma_wait3A_39 : memref<632x128xf32, #tpu.memory_space<hbm>>) dst(%dma_wait3A_36 : memref<632x128xf32, #tpu.memory_space<vmem_shared>>)
        tpu.yield
      }) : () -> ()
    } else {
    }
    %eq3A = arith.constant 15 : i32
    %eq3A_9 = arith.cmpi eq, %arg1, %eq3A : i32
    %convert_element_type3A_10 = arith.extui %eq3A_9 : i1 to i32
    %cond3A_11 = arith.constant 0 : i32
    %cond3A_12 = arith.cmpi ne, %convert_element_type3A_10, %cond3A_11 : i32
    scf.if %cond3A_12 {
      "tpu.region"() ({
        %run_scoped3A = tpu.sem_alloc : memref<!tpu.dma_semaphore, #tpu.memory_space<semaphore_mem>>
        %dma_start3A = arith.constant 9480 : i32
        %dma_start3A_32 = arith.constant 0 : i32
        %dma_start3A_33 = tpu.memref_slice %arg8[%dma_start3A, %dma_start3A_32] : memref<10000x128xf32, #tpu.memory_space<vmem_shared>> -> memref<520x128xf32, #tpu.memory_space<vmem_shared>>
        %dma_start3A_34 = arith.constant 0 : i32
        %dma_start3A_35 = arith.constant 0 : i32
        %dma_start3A_36 = tpu.memref_slice %arg4[%dma_start3A_34, %dma_start3A_35] : memref<632x128xf32, #tpu.memory_space<hbm>> -> memref<520x128xf32, #tpu.memory_space<hbm>>
        tpu.enqueue_dma source(%dma_start3A_36 : memref<520x128xf32, #tpu.memory_space<hbm>>) target(%dma_start3A_33 : memref<520x128xf32, #tpu.memory_space<vmem_shared>>) target_semaphore(%run_scoped3A : memref<!tpu.dma_semaphore, #tpu.memory_space<semaphore_mem>>)
        %dma_wait3A = arith.constant 9480 : i32
        %dma_wait3A_37 = arith.constant 0 : i32
        %dma_wait3A_38 = tpu.memref_slice %arg8[%dma_wait3A, %dma_wait3A_37] : memref<10000x128xf32, #tpu.memory_space<vmem_shared>> -> memref<520x128xf32, #tpu.memory_space<vmem_shared>>
        %dma_wait3A_39 = arith.constant 0 : i32
        %dma_wait3A_40 = arith.constant 0 : i32
        %dma_wait3A_41 = tpu.memref_slice %arg4[%dma_wait3A_39, %dma_wait3A_40] : memref<632x128xf32, #tpu.memory_space<hbm>> -> memref<520x128xf32, #tpu.memory_space<hbm>>
        tpu.wait_dma2 semaphore(%run_scoped3A : memref<!tpu.dma_semaphore, #tpu.memory_space<semaphore_mem>>) src(%dma_wait3A_41 : memref<520x128xf32, #tpu.memory_space<hbm>>) dst(%dma_wait3A_38 : memref<520x128xf32, #tpu.memory_space<vmem_shared>>)
        tpu.yield
      }) : () -> ()
    } else {
    }
    %barrier3A = arith.constant 0 : index
    tpu.barrier barrier_id(%barrier3A)
    %scan3A = arith.constant 0 : i32
    %scan3A_13 = arith.constant 0 : i32
    %scan3A_14 = arith.constant 157 : i32
    %scan3A_15 = arith.addi %scan3A_13, %scan3A_14 : i32
    %scan3A_16 = arith.constant 1 : i32
    scf.for %scan3A_32 = %scan3A_13 to %scan3A_15 step %scan3A_16  : i32 {
      %mul3A_33 = arith.constant 16 : i32
      %mul3A_34 = arith.muli %scan3A_32, %mul3A_33 : i32
      %add3A = arith.addi %mul3A_34, %arg1 : i32
      %lt3A_35 = arith.constant 2500 : i32
      %lt3A_36 = arith.cmpi slt, %add3A, %lt3A_35 : i32
      %convert_element_type3A_37 = arith.extui %lt3A_36 : i1 to i32
      %cond3A_38 = arith.constant 0 : i32
      %cond3A_39 = arith.cmpi ne, %convert_element_type3A_37, %cond3A_38 : i32
      scf.if %cond3A_39 {
        %add3A_40 = arith.addi %multiple_of3A, %add3A : i32
        %mul3A_41 = arith.constant 64 : i32
        %mul3A_42 = arith.muli %add3A_40, %mul3A_41 : i32
        %multiple_of3A_43 = tpu.assume_multiple %mul3A_42, 8 : i32
        "tpu.region"() ({
          %run_scoped3A = tpu.sem_alloc : memref<!tpu.dma_semaphore, #tpu.memory_space<semaphore_mem>>
          %dma_start3A = tpu.memref_slice %arg3[%multiple_of3A_43] : memref<320000xi32, #tpu.memory_space<hbm>> -> memref<64xi32, #tpu.memory_space<hbm>>
          %dma_start3A_44 = tpu.memref_slice %arg3[%multiple_of3A_43] : memref<320000xi32, #tpu.memory_space<hbm>> -> memref<64xi32, #tpu.memory_space<hbm>>
          tpu.enqueue_dma source(%dma_start3A_44 : memref<64xi32, #tpu.memory_space<hbm>>) target(%arg6 : memref<64xi32, #tpu.memory_space<vmem>>) target_semaphore(%run_scoped3A : memref<!tpu.dma_semaphore, #tpu.memory_space<semaphore_mem>>)
          %dma_wait3A = tpu.memref_slice %arg3[%multiple_of3A_43] : memref<320000xi32, #tpu.memory_space<hbm>> -> memref<64xi32, #tpu.memory_space<hbm>>
          %dma_wait3A_45 = tpu.memref_slice %arg3[%multiple_of3A_43] : memref<320000xi32, #tpu.memory_space<hbm>> -> memref<64xi32, #tpu.memory_space<hbm>>
          tpu.wait_dma2 semaphore(%run_scoped3A : memref<!tpu.dma_semaphore, #tpu.memory_space<semaphore_mem>>) src(%dma_wait3A_45 : memref<64xi32, #tpu.memory_space<hbm>>) dst(%arg6 : memref<64xi32, #tpu.memory_space<vmem>>)
          tpu.yield
        }) : () -> ()
        "tpu.region"() ({
          %run_scoped3A = tpu.sem_alloc : memref<!tpu.dma_semaphore, #tpu.memory_space<semaphore_mem>>
          %dma_start3A = arith.constant 0 : i32
          %dma_start3A_44 = tpu.memref_slice %arg2[%multiple_of3A_43, %dma_start3A] : memref<320000x128xf32, #tpu.memory_space<hbm>> -> memref<64x128xf32, #tpu.memory_space<hbm>>
          %dma_start3A_45 = arith.constant 0 : i32
          %dma_start3A_46 = tpu.memref_slice %arg2[%multiple_of3A_43, %dma_start3A_45] : memref<320000x128xf32, #tpu.memory_space<hbm>> -> memref<64x128xf32, #tpu.memory_space<hbm>>
          tpu.enqueue_dma source(%dma_start3A_46 : memref<64x128xf32, #tpu.memory_space<hbm>>) target(%arg7 : memref<64x128xf32, #tpu.memory_space<vmem>>) target_semaphore(%run_scoped3A : memref<!tpu.dma_semaphore, #tpu.memory_space<semaphore_mem>>)
          %dma_wait3A = arith.constant 0 : i32
          %dma_wait3A_47 = tpu.memref_slice %arg2[%multiple_of3A_43, %dma_wait3A] : memref<320000x128xf32, #tpu.memory_space<hbm>> -> memref<64x128xf32, #tpu.memory_space<hbm>>
          %dma_wait3A_48 = arith.constant 0 : i32
          %dma_wait3A_49 = tpu.memref_slice %arg2[%multiple_of3A_43, %dma_wait3A_48] : memref<320000x128xf32, #tpu.memory_space<hbm>> -> memref<64x128xf32, #tpu.memory_space<hbm>>
          tpu.wait_dma2 semaphore(%run_scoped3A : memref<!tpu.dma_semaphore, #tpu.memory_space<semaphore_mem>>) src(%dma_wait3A_49 : memref<64x128xf32, #tpu.memory_space<hbm>>) dst(%arg7 : memref<64x128xf32, #tpu.memory_space<vmem>>)
          tpu.yield
        }) : () -> ()
        "tpu.region"() ({
          %run_scoped3A = tpu.sem_alloc : memref<!tpu.dma_semaphore, #tpu.memory_space<semaphore_mem>>
          %dma_start3A = arith.constant 0 : i32
          %dma_start3A_44 = arith.constant 0 : i32
          %dma_start3A_45 = tpu.memref_slice %arg8[%dma_start3A, %dma_start3A_44] : memref<10000x128xf32, #tpu.memory_space<vmem_shared>> -> memref<10000x128xf32, #tpu.memory_space<vmem_shared>>
          tpu.enqueue_indirect_dma source(%arg7 : memref<64x128xf32, #tpu.memory_space<vmem>>) target(%dma_start3A_45 : memref<10000x128xf32, #tpu.memory_space<vmem_shared>>) offsets(%arg6 : memref<64xi32, #tpu.memory_space<vmem>>) semaphore(%run_scoped3A : memref<!tpu.dma_semaphore, #tpu.memory_space<semaphore_mem>>) {add = true}
          %dma_wait3A = arith.constant 0 : i32
          %dma_wait3A_46 = arith.constant 0 : i32
          %dma_wait3A_47 = tpu.memref_slice %arg8[%dma_wait3A, %dma_wait3A_46] : memref<10000x128xf32, #tpu.memory_space<vmem_shared>> -> memref<10000x128xf32, #tpu.memory_space<vmem_shared>>
          tpu.wait_indirect_dma semaphore(%run_scoped3A : memref<!tpu.dma_semaphore, #tpu.memory_space<semaphore_mem>>) src(%arg7 : memref<64x128xf32, #tpu.memory_space<vmem>>) dst(%dma_wait3A_47 : memref<10000x128xf32, #tpu.memory_space<vmem_shared>>)
          tpu.yield
        }) : () -> ()
      } else {
      }
    }
    %scan3A_17 = arith.constant 157 : i32
    %barrier3A_18 = arith.constant 0 : index
    tpu.barrier barrier_id(%barrier3A_18)
    %mul3A_19 = arith.constant 632 : i32
    %mul3A_20 = arith.muli %arg1, %mul3A_19 : i32
    %multiple_of3A_21 = tpu.assume_multiple %mul3A_20, 8 : i32
    %lt3A_22 = arith.constant 15 : i32
    %lt3A_23 = arith.cmpi slt, %arg1, %lt3A_22 : i32
    %convert_element_type3A_24 = arith.extui %lt3A_23 : i1 to i32
    %cond3A_25 = arith.constant 0 : i32
    %cond3A_26 = arith.cmpi ne, %convert_element_type3A_24, %cond3A_25 : i32
    scf.if %cond3A_26 {
      %add3A = arith.addi %multiple_of3A_3, %multiple_of3A_21 : i32
      %multiple_of3A_32 = tpu.assume_multiple %add3A, 8 : i32
      "tpu.region"() ({
        %run_scoped3A = tpu.sem_alloc : memref<!tpu.dma_semaphore, #tpu.memory_space<semaphore_mem>>
        %dma_start3A = arith.constant 0 : i32
        %dma_start3A_33 = tpu.memref_slice %arg5[%multiple_of3A_32, %dma_start3A] : memref<20000x128xf32, #tpu.memory_space<hbm>> -> memref<632x128xf32, #tpu.memory_space<hbm>>
        %dma_start3A_34 = arith.constant 0 : i32
        %dma_start3A_35 = tpu.memref_slice %arg8[%multiple_of3A_21, %dma_start3A_34] : memref<10000x128xf32, #tpu.memory_space<vmem_shared>> -> memref<632x128xf32, #tpu.memory_space<vmem_shared>>
        tpu.enqueue_dma source(%dma_start3A_35 : memref<632x128xf32, #tpu.memory_space<vmem_shared>>) target(%dma_start3A_33 : memref<632x128xf32, #tpu.memory_space<hbm>>) target_semaphore(%run_scoped3A : memref<!tpu.dma_semaphore, #tpu.memory_space<semaphore_mem>>)
        %dma_wait3A = arith.constant 0 : i32
        %dma_wait3A_36 = tpu.memref_slice %arg5[%multiple_of3A_32, %dma_wait3A] : memref<20000x128xf32, #tpu.memory_space<hbm>> -> memref<632x128xf32, #tpu.memory_space<hbm>>
        %dma_wait3A_37 = arith.constant 0 : i32
        %dma_wait3A_38 = tpu.memref_slice %arg8[%multiple_of3A_21, %dma_wait3A_37] : memref<10000x128xf32, #tpu.memory_space<vmem_shared>> -> memref<632x128xf32, #tpu.memory_space<vmem_shared>>
        tpu.wait_dma2 semaphore(%run_scoped3A : memref<!tpu.dma_semaphore, #tpu.memory_space<semaphore_mem>>) src(%dma_wait3A_38 : memref<632x128xf32, #tpu.memory_space<vmem_shared>>) dst(%dma_wait3A_36 : memref<632x128xf32, #tpu.memory_space<hbm>>)
        tpu.yield
      }) : () -> ()
    } else {
    }
    %eq3A_27 = arith.constant 15 : i32
    %eq3A_28 = arith.cmpi eq, %arg1, %eq3A_27 : i32
    %convert_element_type3A_29 = arith.extui %eq3A_28 : i1 to i32
    %cond3A_30 = arith.constant 0 : i32
    %cond3A_31 = arith.cmpi ne, %convert_element_type3A_29, %cond3A_30 : i32
    scf.if %cond3A_31 {
      %add3A = arith.constant 9480 : i32
      %add3A_32 = arith.addi %multiple_of3A_3, %add3A : i32
      %multiple_of3A_33 = tpu.assume_multiple %add3A_32, 8 : i32
      "tpu.region"() ({
        %run_scoped3A = tpu.sem_alloc : memref<!tpu.dma_semaphore, #tpu.memory_space<semaphore_mem>>
        %dma_start3A = arith.constant 0 : i32
        %dma_start3A_34 = tpu.memref_slice %arg5[%multiple_of3A_33, %dma_start3A] : memref<20000x128xf32, #tpu.memory_space<hbm>> -> memref<520x128xf32, #tpu.memory_space<hbm>>
        %dma_start3A_35 = arith.constant 9480 : i32
        %dma_start3A_36 = arith.constant 0 : i32
        %dma_start3A_37 = tpu.memref_slice %arg8[%dma_start3A_35, %dma_start3A_36] : memref<10000x128xf32, #tpu.memory_space<vmem_shared>> -> memref<520x128xf32, #tpu.memory_space<vmem_shared>>
        tpu.enqueue_dma source(%dma_start3A_37 : memref<520x128xf32, #tpu.memory_space<vmem_shared>>) target(%dma_start3A_34 : memref<520x128xf32, #tpu.memory_space<hbm>>) target_semaphore(%run_scoped3A : memref<!tpu.dma_semaphore, #tpu.memory_space<semaphore_mem>>)
        %dma_wait3A = arith.constant 0 : i32
        %dma_wait3A_38 = tpu.memref_slice %arg5[%multiple_of3A_33, %dma_wait3A] : memref<20000x128xf32, #tpu.memory_space<hbm>> -> memref<520x128xf32, #tpu.memory_space<hbm>>
        %dma_wait3A_39 = arith.constant 9480 : i32
        %dma_wait3A_40 = arith.constant 0 : i32
        %dma_wait3A_41 = tpu.memref_slice %arg8[%dma_wait3A_39, %dma_wait3A_40] : memref<10000x128xf32, #tpu.memory_space<vmem_shared>> -> memref<520x128xf32, #tpu.memory_space<vmem_shared>>
        tpu.wait_dma2 semaphore(%run_scoped3A : memref<!tpu.dma_semaphore, #tpu.memory_space<semaphore_mem>>) src(%dma_wait3A_41 : memref<520x128xf32, #tpu.memory_space<vmem_shared>>) dst(%dma_wait3A_38 : memref<520x128xf32, #tpu.memory_space<hbm>>)
        tpu.yield
      }) : () -> ()
    } else {
    }
    return
  }
}

#map = affine_map<(d0, d1) -> (0, 0)>
#map1 = affine_map<(d0, d1) -> (0)>
module attributes {stable_mosaic.version = 14 : i64} {
  func.func @_sc_pass_a1(%arg0: i32, %arg1: i32, %arg2: memref<20000x128xf32, #tpu.memory_space<hbm>>, %arg3: memref<320000x128xf32, #tpu.memory_space<hbm>>, %arg4: memref<640000xi32, #tpu.memory_space<hbm>>, %arg5: memref<320000xi32, #tpu.memory_space<hbm>>, %arg6: memref<632x128xf32, #tpu.memory_space<hbm>>, %arg7: memref<320000x128xf32, #tpu.memory_space<hbm>>, %arg8: memref<20000x128xf32, #tpu.memory_space<hbm>>, %arg9: memref<128xi32, #tpu.memory_space<vmem>>, %arg10: memref<64xi32, #tpu.memory_space<vmem>>, %arg11: memref<128x128xf32, #tpu.memory_space<vmem>>, %arg12: memref<64x128xf32, #tpu.memory_space<vmem>>, %arg13: memref<64x128xf32, #tpu.memory_space<vmem>>, %arg14: memref<!tpu.dma_semaphore, #tpu.memory_space<semaphore_mem>>, %arg15: memref<10000x128xf32, #tpu.memory_space<vmem_shared>>) attributes {dimension_semantics = [#tpu.dimension_semantics<core_parallel>, #tpu.dimension_semantics<subcore_parallel>], iteration_bounds = array<i64: 2, 16>, scalar_prefetch = 0 : i64, scratch_operands = 7 : i64, tpu.core_type = #tpu.core_type<sc_vector_subcore>, window_params = [{transform_indices = #map}, {transform_indices = #map}, {transform_indices = #map1}, {transform_indices = #map1}, {transform_indices = #map}, {transform_indices = #map}, {transform_indices = #map}]} {
    %mul3A = arith.constant 2500 : i32
    %mul3A_0 = arith.muli %arg0, %mul3A : i32
    %multiple_of3A = tpu.assume_multiple %mul3A_0, 4 : i32
    %mul3A_1 = arith.constant 10000 : i32
    %mul3A_2 = arith.muli %arg0, %mul3A_1 : i32
    %multiple_of3A_3 = tpu.assume_multiple %mul3A_2, 8 : i32
    %mul3A_4 = arith.constant 632 : i32
    %mul3A_5 = arith.muli %arg1, %mul3A_4 : i32
    %multiple_of3A_6 = tpu.assume_multiple %mul3A_5, 8 : i32
    %lt3A = arith.constant 15 : i32
    %lt3A_7 = arith.cmpi slt, %arg1, %lt3A : i32
    %convert_element_type3A = arith.extui %lt3A_7 : i1 to i32
    %cond3A = arith.constant 0 : i32
    %cond3A_8 = arith.cmpi ne, %convert_element_type3A, %cond3A : i32
    scf.if %cond3A_8 {
      "tpu.region"() ({
        %run_scoped3A = tpu.sem_alloc : memref<!tpu.dma_semaphore, #tpu.memory_space<semaphore_mem>>
        %dma_start3A = arith.constant 0 : i32
        %dma_start3A_32 = tpu.memref_slice %arg15[%multiple_of3A_6, %dma_start3A] : memref<10000x128xf32, #tpu.memory_space<vmem_shared>> -> memref<632x128xf32, #tpu.memory_space<vmem_shared>>
        %dma_start3A_33 = arith.constant 0 : i32
        %dma_start3A_34 = arith.constant 0 : i32
        %dma_start3A_35 = tpu.memref_slice %arg6[%dma_start3A_33, %dma_start3A_34] : memref<632x128xf32, #tpu.memory_space<hbm>> -> memref<632x128xf32, #tpu.memory_space<hbm>>
        tpu.enqueue_dma source(%dma_start3A_35 : memref<632x128xf32, #tpu.memory_space<hbm>>) target(%dma_start3A_32 : memref<632x128xf32, #tpu.memory_space<vmem_shared>>) target_semaphore(%run_scoped3A : memref<!tpu.dma_semaphore, #tpu.memory_space<semaphore_mem>>)
        %dma_wait3A = arith.constant 0 : i32
        %dma_wait3A_36 = tpu.memref_slice %arg15[%multiple_of3A_6, %dma_wait3A] : memref<10000x128xf32, #tpu.memory_space<vmem_shared>> -> memref<632x128xf32, #tpu.memory_space<vmem_shared>>
        %dma_wait3A_37 = arith.constant 0 : i32
        %dma_wait3A_38 = arith.constant 0 : i32
        %dma_wait3A_39 = tpu.memref_slice %arg6[%dma_wait3A_37, %dma_wait3A_38] : memref<632x128xf32, #tpu.memory_space<hbm>> -> memref<632x128xf32, #tpu.memory_space<hbm>>
        tpu.wait_dma2 semaphore(%run_scoped3A : memref<!tpu.dma_semaphore, #tpu.memory_space<semaphore_mem>>) src(%dma_wait3A_39 : memref<632x128xf32, #tpu.memory_space<hbm>>) dst(%dma_wait3A_36 : memref<632x128xf32, #tpu.memory_space<vmem_shared>>)
        tpu.yield
      }) : () -> ()
    } else {
    }
    %eq3A = arith.constant 15 : i32
    %eq3A_9 = arith.cmpi eq, %arg1, %eq3A : i32
    %convert_element_type3A_10 = arith.extui %eq3A_9 : i1 to i32
    %cond3A_11 = arith.constant 0 : i32
    %cond3A_12 = arith.cmpi ne, %convert_element_type3A_10, %cond3A_11 : i32
    scf.if %cond3A_12 {
      "tpu.region"() ({
        %run_scoped3A = tpu.sem_alloc : memref<!tpu.dma_semaphore, #tpu.memory_space<semaphore_mem>>
        %dma_start3A = arith.constant 9480 : i32
        %dma_start3A_32 = arith.constant 0 : i32
        %dma_start3A_33 = tpu.memref_slice %arg15[%dma_start3A, %dma_start3A_32] : memref<10000x128xf32, #tpu.memory_space<vmem_shared>> -> memref<520x128xf32, #tpu.memory_space<vmem_shared>>
        %dma_start3A_34 = arith.constant 0 : i32
        %dma_start3A_35 = arith.constant 0 : i32
        %dma_start3A_36 = tpu.memref_slice %arg6[%dma_start3A_34, %dma_start3A_35] : memref<632x128xf32, #tpu.memory_space<hbm>> -> memref<520x128xf32, #tpu.memory_space<hbm>>
        tpu.enqueue_dma source(%dma_start3A_36 : memref<520x128xf32, #tpu.memory_space<hbm>>) target(%dma_start3A_33 : memref<520x128xf32, #tpu.memory_space<vmem_shared>>) target_semaphore(%run_scoped3A : memref<!tpu.dma_semaphore, #tpu.memory_space<semaphore_mem>>)
        %dma_wait3A = arith.constant 9480 : i32
        %dma_wait3A_37 = arith.constant 0 : i32
        %dma_wait3A_38 = tpu.memref_slice %arg15[%dma_wait3A, %dma_wait3A_37] : memref<10000x128xf32, #tpu.memory_space<vmem_shared>> -> memref<520x128xf32, #tpu.memory_space<vmem_shared>>
        %dma_wait3A_39 = arith.constant 0 : i32
        %dma_wait3A_40 = arith.constant 0 : i32
        %dma_wait3A_41 = tpu.memref_slice %arg6[%dma_wait3A_39, %dma_wait3A_40] : memref<632x128xf32, #tpu.memory_space<hbm>> -> memref<520x128xf32, #tpu.memory_space<hbm>>
        tpu.wait_dma2 semaphore(%run_scoped3A : memref<!tpu.dma_semaphore, #tpu.memory_space<semaphore_mem>>) src(%dma_wait3A_41 : memref<520x128xf32, #tpu.memory_space<hbm>>) dst(%dma_wait3A_38 : memref<520x128xf32, #tpu.memory_space<vmem_shared>>)
        tpu.yield
      }) : () -> ()
    } else {
    }
    %barrier3A = arith.constant 0 : index
    tpu.barrier barrier_id(%barrier3A)
    %scan3A = arith.constant 0 : i32
    %scan3A_13 = arith.constant 0 : i32
    %scan3A_14 = arith.constant 157 : i32
    %scan3A_15 = arith.addi %scan3A_13, %scan3A_14 : i32
    %scan3A_16 = arith.constant 1 : i32
    scf.for %scan3A_32 = %scan3A_13 to %scan3A_15 step %scan3A_16  : i32 {
      %mul3A_33 = arith.constant 16 : i32
      %mul3A_34 = arith.muli %scan3A_32, %mul3A_33 : i32
      %add3A = arith.addi %mul3A_34, %arg1 : i32
      %lt3A_35 = arith.constant 2500 : i32
      %lt3A_36 = arith.cmpi slt, %add3A, %lt3A_35 : i32
      %convert_element_type3A_37 = arith.extui %lt3A_36 : i1 to i32
      %cond3A_38 = arith.constant 0 : i32
      %cond3A_39 = arith.cmpi ne, %convert_element_type3A_37, %cond3A_38 : i32
      scf.if %cond3A_39 {
        %add3A_40 = arith.addi %multiple_of3A, %add3A : i32
        %mul3A_41 = arith.constant 2 : i32
        %mul3A_42 = arith.muli %add3A_40, %mul3A_41 : i32
        %mul3A_43 = arith.constant 64 : i32
        %mul3A_44 = arith.muli %mul3A_42, %mul3A_43 : i32
        %multiple_of3A_45 = tpu.assume_multiple %mul3A_44, 128 : i32
        %mul3A_46 = arith.constant 64 : i32
        %mul3A_47 = arith.muli %add3A_40, %mul3A_46 : i32
        %multiple_of3A_48 = tpu.assume_multiple %mul3A_47, 8 : i32
        "tpu.region"() ({
          %run_scoped3A = tpu.sem_alloc : memref<!tpu.dma_semaphore, #tpu.memory_space<semaphore_mem>>
          %dma_start3A_59 = tpu.memref_slice %arg4[%multiple_of3A_45] : memref<640000xi32, #tpu.memory_space<hbm>> -> memref<128xi32, #tpu.memory_space<hbm>>
          %dma_start3A_60 = tpu.memref_slice %arg4[%multiple_of3A_45] : memref<640000xi32, #tpu.memory_space<hbm>> -> memref<128xi32, #tpu.memory_space<hbm>>
          tpu.enqueue_dma source(%dma_start3A_60 : memref<128xi32, #tpu.memory_space<hbm>>) target(%arg9 : memref<128xi32, #tpu.memory_space<vmem>>) target_semaphore(%run_scoped3A : memref<!tpu.dma_semaphore, #tpu.memory_space<semaphore_mem>>)
          %dma_wait3A_61 = tpu.memref_slice %arg4[%multiple_of3A_45] : memref<640000xi32, #tpu.memory_space<hbm>> -> memref<128xi32, #tpu.memory_space<hbm>>
          %dma_wait3A_62 = tpu.memref_slice %arg4[%multiple_of3A_45] : memref<640000xi32, #tpu.memory_space<hbm>> -> memref<128xi32, #tpu.memory_space<hbm>>
          tpu.wait_dma2 semaphore(%run_scoped3A : memref<!tpu.dma_semaphore, #tpu.memory_space<semaphore_mem>>) src(%dma_wait3A_62 : memref<128xi32, #tpu.memory_space<hbm>>) dst(%arg9 : memref<128xi32, #tpu.memory_space<vmem>>)
          tpu.yield
        }) : () -> ()
        "tpu.region"() ({
          %run_scoped3A = tpu.sem_alloc : memref<!tpu.dma_semaphore, #tpu.memory_space<semaphore_mem>>
          %dma_start3A_59 = tpu.memref_slice %arg5[%multiple_of3A_48] : memref<320000xi32, #tpu.memory_space<hbm>> -> memref<64xi32, #tpu.memory_space<hbm>>
          %dma_start3A_60 = tpu.memref_slice %arg5[%multiple_of3A_48] : memref<320000xi32, #tpu.memory_space<hbm>> -> memref<64xi32, #tpu.memory_space<hbm>>
          tpu.enqueue_dma source(%dma_start3A_60 : memref<64xi32, #tpu.memory_space<hbm>>) target(%arg10 : memref<64xi32, #tpu.memory_space<vmem>>) target_semaphore(%run_scoped3A : memref<!tpu.dma_semaphore, #tpu.memory_space<semaphore_mem>>)
          %dma_wait3A_61 = tpu.memref_slice %arg5[%multiple_of3A_48] : memref<320000xi32, #tpu.memory_space<hbm>> -> memref<64xi32, #tpu.memory_space<hbm>>
          %dma_wait3A_62 = tpu.memref_slice %arg5[%multiple_of3A_48] : memref<320000xi32, #tpu.memory_space<hbm>> -> memref<64xi32, #tpu.memory_space<hbm>>
          tpu.wait_dma2 semaphore(%run_scoped3A : memref<!tpu.dma_semaphore, #tpu.memory_space<semaphore_mem>>) src(%dma_wait3A_62 : memref<64xi32, #tpu.memory_space<hbm>>) dst(%arg10 : memref<64xi32, #tpu.memory_space<vmem>>)
          tpu.yield
        }) : () -> ()
        %dma_start3A = arith.constant 0 : i32
        %dma_start3A_49 = arith.constant 0 : i32
        %dma_start3A_50 = tpu.memref_slice %arg2[%dma_start3A, %dma_start3A_49] : memref<20000x128xf32, #tpu.memory_space<hbm>> -> memref<20000x128xf32, #tpu.memory_space<hbm>>
        tpu.enqueue_indirect_dma source(%dma_start3A_50 : memref<20000x128xf32, #tpu.memory_space<hbm>>) target(%arg11 : memref<128x128xf32, #tpu.memory_space<vmem>>) offsets(%arg9 : memref<128xi32, #tpu.memory_space<vmem>>) semaphore(%arg14 : memref<!tpu.dma_semaphore, #tpu.memory_space<semaphore_mem>>)
        %dma_wait3A = arith.constant 0 : i32
        %dma_wait3A_51 = arith.constant 0 : i32
        %dma_wait3A_52 = tpu.memref_slice %arg2[%dma_wait3A, %dma_wait3A_51] : memref<20000x128xf32, #tpu.memory_space<hbm>> -> memref<20000x128xf32, #tpu.memory_space<hbm>>
        tpu.wait_indirect_dma semaphore(%arg14 : memref<!tpu.dma_semaphore, #tpu.memory_space<semaphore_mem>>) src(%dma_wait3A_52 : memref<20000x128xf32, #tpu.memory_space<hbm>>) dst(%arg11 : memref<128x128xf32, #tpu.memory_space<vmem>>)
        "tpu.region"() ({
          %run_scoped3A = tpu.sem_alloc : memref<!tpu.dma_semaphore, #tpu.memory_space<semaphore_mem>>
          %dma_start3A_59 = arith.constant 0 : i32
          %dma_start3A_60 = tpu.memref_slice %arg3[%multiple_of3A_48, %dma_start3A_59] : memref<320000x128xf32, #tpu.memory_space<hbm>> -> memref<64x128xf32, #tpu.memory_space<hbm>>
          %dma_start3A_61 = arith.constant 0 : i32
          %dma_start3A_62 = tpu.memref_slice %arg3[%multiple_of3A_48, %dma_start3A_61] : memref<320000x128xf32, #tpu.memory_space<hbm>> -> memref<64x128xf32, #tpu.memory_space<hbm>>
          tpu.enqueue_dma source(%dma_start3A_62 : memref<64x128xf32, #tpu.memory_space<hbm>>) target(%arg12 : memref<64x128xf32, #tpu.memory_space<vmem>>) target_semaphore(%run_scoped3A : memref<!tpu.dma_semaphore, #tpu.memory_space<semaphore_mem>>)
          %dma_wait3A_63 = arith.constant 0 : i32
          %dma_wait3A_64 = tpu.memref_slice %arg3[%multiple_of3A_48, %dma_wait3A_63] : memref<320000x128xf32, #tpu.memory_space<hbm>> -> memref<64x128xf32, #tpu.memory_space<hbm>>
          %dma_wait3A_65 = arith.constant 0 : i32
          %dma_wait3A_66 = tpu.memref_slice %arg3[%multiple_of3A_48, %dma_wait3A_65] : memref<320000x128xf32, #tpu.memory_space<hbm>> -> memref<64x128xf32, #tpu.memory_space<hbm>>
          tpu.wait_dma2 semaphore(%run_scoped3A : memref<!tpu.dma_semaphore, #tpu.memory_space<semaphore_mem>>) src(%dma_wait3A_66 : memref<64x128xf32, #tpu.memory_space<hbm>>) dst(%arg12 : memref<64x128xf32, #tpu.memory_space<vmem>>)
          tpu.yield
        }) : () -> ()
        %scan3A_53 = arith.constant 0 : i32
        %scan3A_54 = arith.constant 0 : i32
        %scan3A_55 = arith.constant 64 : i32
        %scan3A_56 = arith.addi %scan3A_54, %scan3A_55 : i32
        %scan3A_57 = arith.constant 1 : i32
        scf.for %scan3A_59 = %scan3A_54 to %scan3A_56 step %scan3A_57  : i32 {
          %get3A = arith.index_cast %scan3A_59 : i32 to index
          %get3A_60 = arith.constant 0 : index
          %get3A_61 = tpu.vector_load %arg11[%get3A, %get3A_60] {strides = array<i32>} : memref<128x128xf32, #tpu.memory_space<vmem>>, vector<1x16xf32>,
          %get3A_62 = vector.shape_cast %get3A_61 : vector<1x16xf32> to vector<16xf32>
          %add3A_63 = arith.constant 64 : i32
          %add3A_64 = arith.addi %scan3A_59, %add3A_63 : i32
          %get3A_65 = arith.index_cast %add3A_64 : i32 to index
          %get3A_66 = arith.constant 0 : index
          %get3A_67 = tpu.vector_load %arg11[%get3A_65, %get3A_66] {strides = array<i32>} : memref<128x128xf32, #tpu.memory_space<vmem>>, vector<1x16xf32>,
          %get3A_68 = vector.shape_cast %get3A_67 : vector<1x16xf32> to vector<16xf32>
          %add3A_69 = arith.addf %get3A_62, %get3A_68 : vector<16xf32>
          %get3A_70 = arith.index_cast %scan3A_59 : i32 to index
          %get3A_71 = arith.constant 0 : index
          %get3A_72 = tpu.vector_load %arg12[%get3A_70, %get3A_71] {strides = array<i32>} : memref<64x128xf32, #tpu.memory_space<vmem>>, vector<1x16xf32>,
          %get3A_73 = vector.shape_cast %get3A_72 : vector<1x16xf32> to vector<16xf32>
          %add3A_74 = arith.addf %add3A_69, %get3A_73 : vector<16xf32>
          %ge3A = arith.constant 0.000000e+00 : f32
          %ge3A_75 = vector.broadcast %ge3A : f32 to vector<16xf32>
          %ge3A_76 = arith.cmpf oge, %add3A_74, %ge3A_75 : vector<16xf32>
          %mul3A_77 = arith.constant 2.000000e-01 : f32
          %mul3A_78 = vector.broadcast %mul3A_77 : f32 to vector<16xf32>
          %mul3A_79 = arith.mulf %mul3A_78, %add3A_74 : vector<16xf32>
          %select_n3A = arith.select %ge3A_76, %add3A_74, %mul3A_79 : vector<16xi1>, vector<16xf32>
          %exp3A = math.exp %select_n3A : vector<16xf32>
          %swap3A = arith.index_cast %scan3A_59 : i32 to index
          %swap3A_80 = arith.constant 0 : index
          %swap3A_81 = tpu.vector_load %arg13[%swap3A, %swap3A_80] {strides = array<i32>} : memref<64x128xf32, #tpu.memory_space<vmem>>, vector<1x16xf32>,
          %swap3A_82 = vector.shape_cast %swap3A_81 : vector<1x16xf32> to vector<16xf32>
          %swap3A_83 = vector.shape_cast %exp3A : vector<16xf32> to vector<1x16xf32>
          tpu.vector_store %arg13[%swap3A, %swap3A_80], %swap3A_83 {strides = array<i32>} : memref<64x128xf32, #tpu.memory_space<vmem>>, vector<1x16xf32>,
          %get3A_84 = arith.index_cast %scan3A_59 : i32 to index
          %get3A_85 = arith.constant 16 : index
          %get3A_86 = tpu.vector_load %arg11[%get3A_84, %get3A_85] {strides = array<i32>} : memref<128x128xf32, #tpu.memory_space<vmem>>, vector<1x16xf32>,
          %get3A_87 = vector.shape_cast %get3A_86 : vector<1x16xf32> to vector<16xf32>
          %add3A_88 = arith.constant 64 : i32
          %add3A_89 = arith.addi %scan3A_59, %add3A_88 : i32
          %get3A_90 = arith.index_cast %add3A_89 : i32 to index
          %get3A_91 = arith.constant 16 : index
          %get3A_92 = tpu.vector_load %arg11[%get3A_90, %get3A_91] {strides = array<i32>} : memref<128x128xf32, #tpu.memory_space<vmem>>, vector<1x16xf32>,
          %get3A_93 = vector.shape_cast %get3A_92 : vector<1x16xf32> to vector<16xf32>
          %add3A_94 = arith.addf %get3A_87, %get3A_93 : vector<16xf32>
          %get3A_95 = arith.index_cast %scan3A_59 : i32 to index
          %get3A_96 = arith.constant 16 : index
          %get3A_97 = tpu.vector_load %arg12[%get3A_95, %get3A_96] {strides = array<i32>} : memref<64x128xf32, #tpu.memory_space<vmem>>, vector<1x16xf32>,
          %get3A_98 = vector.shape_cast %get3A_97 : vector<1x16xf32> to vector<16xf32>
          %add3A_99 = arith.addf %add3A_94, %get3A_98 : vector<16xf32>
          %ge3A_100 = arith.constant 0.000000e+00 : f32
          %ge3A_101 = vector.broadcast %ge3A_100 : f32 to vector<16xf32>
          %ge3A_102 = arith.cmpf oge, %add3A_99, %ge3A_101 : vector<16xf32>
          %mul3A_103 = arith.constant 2.000000e-01 : f32
          %mul3A_104 = vector.broadcast %mul3A_103 : f32 to vector<16xf32>
          %mul3A_105 = arith.mulf %mul3A_104, %add3A_99 : vector<16xf32>
          %select_n3A_106 = arith.select %ge3A_102, %add3A_99, %mul3A_105 : vector<16xi1>, vector<16xf32>
          %exp3A_107 = math.exp %select_n3A_106 : vector<16xf32>
          %swap3A_108 = arith.index_cast %scan3A_59 : i32 to index
          %swap3A_109 = arith.constant 16 : index
          %swap3A_110 = tpu.vector_load %arg13[%swap3A_108, %swap3A_109] {strides = array<i32>} : memref<64x128xf32, #tpu.memory_space<vmem>>, vector<1x16xf32>,
          %swap3A_111 = vector.shape_cast %swap3A_110 : vector<1x16xf32> to vector<16xf32>
          %swap3A_112 = vector.shape_cast %exp3A_107 : vector<16xf32> to vector<1x16xf32>
          tpu.vector_store %arg13[%swap3A_108, %swap3A_109], %swap3A_112 {strides = array<i32>} : memref<64x128xf32, #tpu.memory_space<vmem>>, vector<1x16xf32>,
          %get3A_113 = arith.index_cast %scan3A_59 : i32 to index
          %get3A_114 = arith.constant 32 : index
          %get3A_115 = tpu.vector_load %arg11[%get3A_113, %get3A_114] {strides = array<i32>} : memref<128x128xf32, #tpu.memory_space<vmem>>, vector<1x16xf32>,
          %get3A_116 = vector.shape_cast %get3A_115 : vector<1x16xf32> to vector<16xf32>
          %add3A_117 = arith.constant 64 : i32
          %add3A_118 = arith.addi %scan3A_59, %add3A_117 : i32
          %get3A_119 = arith.index_cast %add3A_118 : i32 to index
          %get3A_120 = arith.constant 32 : index
          %get3A_121 = tpu.vector_load %arg11[%get3A_119, %get3A_120] {strides = array<i32>} : memref<128x128xf32, #tpu.memory_space<vmem>>, vector<1x16xf32>,
          %get3A_122 = vector.shape_cast %get3A_121 : vector<1x16xf32> to vector<16xf32>
          %add3A_123 = arith.addf %get3A_116, %get3A_122 : vector<16xf32>
          %get3A_124 = arith.index_cast %scan3A_59 : i32 to index
          %get3A_125 = arith.constant 32 : index
          %get3A_126 = tpu.vector_load %arg12[%get3A_124, %get3A_125] {strides = array<i32>} : memref<64x128xf32, #tpu.memory_space<vmem>>, vector<1x16xf32>,
          %get3A_127 = vector.shape_cast %get3A_126 : vector<1x16xf32> to vector<16xf32>
          %add3A_128 = arith.addf %add3A_123, %get3A_127 : vector<16xf32>
          %ge3A_129 = arith.constant 0.000000e+00 : f32
          %ge3A_130 = vector.broadcast %ge3A_129 : f32 to vector<16xf32>
          %ge3A_131 = arith.cmpf oge, %add3A_128, %ge3A_130 : vector<16xf32>
          %mul3A_132 = arith.constant 2.000000e-01 : f32
          %mul3A_133 = vector.broadcast %mul3A_132 : f32 to vector<16xf32>
          %mul3A_134 = arith.mulf %mul3A_133, %add3A_128 : vector<16xf32>
          %select_n3A_135 = arith.select %ge3A_131, %add3A_128, %mul3A_134 : vector<16xi1>, vector<16xf32>
          %exp3A_136 = math.exp %select_n3A_135 : vector<16xf32>
          %swap3A_137 = arith.index_cast %scan3A_59 : i32 to index
          %swap3A_138 = arith.constant 32 : index
          %swap3A_139 = tpu.vector_load %arg13[%swap3A_137, %swap3A_138] {strides = array<i32>} : memref<64x128xf32, #tpu.memory_space<vmem>>, vector<1x16xf32>,
          %swap3A_140 = vector.shape_cast %swap3A_139 : vector<1x16xf32> to vector<16xf32>
          %swap3A_141 = vector.shape_cast %exp3A_136 : vector<16xf32> to vector<1x16xf32>
          tpu.vector_store %arg13[%swap3A_137, %swap3A_138], %swap3A_141 {strides = array<i32>} : memref<64x128xf32, #tpu.memory_space<vmem>>, vector<1x16xf32>,
          %get3A_142 = arith.index_cast %scan3A_59 : i32 to index
          %get3A_143 = arith.constant 48 : index
          %get3A_144 = tpu.vector_load %arg11[%get3A_142, %get3A_143] {strides = array<i32>} : memref<128x128xf32, #tpu.memory_space<vmem>>, vector<1x16xf32>,
          %get3A_145 = vector.shape_cast %get3A_144 : vector<1x16xf32> to vector<16xf32>
          %add3A_146 = arith.constant 64 : i32
          %add3A_147 = arith.addi %scan3A_59, %add3A_146 : i32
          %get3A_148 = arith.index_cast %add3A_147 : i32 to index
          %get3A_149 = arith.constant 48 : index
          %get3A_150 = tpu.vector_load %arg11[%get3A_148, %get3A_149] {strides = array<i32>} : memref<128x128xf32, #tpu.memory_space<vmem>>, vector<1x16xf32>,
          %get3A_151 = vector.shape_cast %get3A_150 : vector<1x16xf32> to vector<16xf32>
          %add3A_152 = arith.addf %get3A_145, %get3A_151 : vector<16xf32>
          %get3A_153 = arith.index_cast %scan3A_59 : i32 to index
          %get3A_154 = arith.constant 48 : index
          %get3A_155 = tpu.vector_load %arg12[%get3A_153, %get3A_154] {strides = array<i32>} : memref<64x128xf32, #tpu.memory_space<vmem>>, vector<1x16xf32>,
          %get3A_156 = vector.shape_cast %get3A_155 : vector<1x16xf32> to vector<16xf32>
          %add3A_157 = arith.addf %add3A_152, %get3A_156 : vector<16xf32>
          %ge3A_158 = arith.constant 0.000000e+00 : f32
          %ge3A_159 = vector.broadcast %ge3A_158 : f32 to vector<16xf32>
          %ge3A_160 = arith.cmpf oge, %add3A_157, %ge3A_159 : vector<16xf32>
          %mul3A_161 = arith.constant 2.000000e-01 : f32
          %mul3A_162 = vector.broadcast %mul3A_161 : f32 to vector<16xf32>
          %mul3A_163 = arith.mulf %mul3A_162, %add3A_157 : vector<16xf32>
          %select_n3A_164 = arith.select %ge3A_160, %add3A_157, %mul3A_163 : vector<16xi1>, vector<16xf32>
          %exp3A_165 = math.exp %select_n3A_164 : vector<16xf32>
          %swap3A_166 = arith.index_cast %scan3A_59 : i32 to index
          %swap3A_167 = arith.constant 48 : index
          %swap3A_168 = tpu.vector_load %arg13[%swap3A_166, %swap3A_167] {strides = array<i32>} : memref<64x128xf32, #tpu.memory_space<vmem>>, vector<1x16xf32>,
          %swap3A_169 = vector.shape_cast %swap3A_168 : vector<1x16xf32> to vector<16xf32>
          %swap3A_170 = vector.shape_cast %exp3A_165 : vector<16xf32> to vector<1x16xf32>
          tpu.vector_store %arg13[%swap3A_166, %swap3A_167], %swap3A_170 {strides = array<i32>} : memref<64x128xf32, #tpu.memory_space<vmem>>, vector<1x16xf32>,
          %get3A_171 = arith.index_cast %scan3A_59 : i32 to index
          %get3A_172 = arith.constant 64 : index
          %get3A_173 = tpu.vector_load %arg11[%get3A_171, %get3A_172] {strides = array<i32>} : memref<128x128xf32, #tpu.memory_space<vmem>>, vector<1x16xf32>,
          %get3A_174 = vector.shape_cast %get3A_173 : vector<1x16xf32> to vector<16xf32>
          %add3A_175 = arith.constant 64 : i32
          %add3A_176 = arith.addi %scan3A_59, %add3A_175 : i32
          %get3A_177 = arith.index_cast %add3A_176 : i32 to index
          %get3A_178 = arith.constant 64 : index
          %get3A_179 = tpu.vector_load %arg11[%get3A_177, %get3A_178] {strides = array<i32>} : memref<128x128xf32, #tpu.memory_space<vmem>>, vector<1x16xf32>,
          %get3A_180 = vector.shape_cast %get3A_179 : vector<1x16xf32> to vector<16xf32>
          %add3A_181 = arith.addf %get3A_174, %get3A_180 : vector<16xf32>
          %get3A_182 = arith.index_cast %scan3A_59 : i32 to index
          %get3A_183 = arith.constant 64 : index
          %get3A_184 = tpu.vector_load %arg12[%get3A_182, %get3A_183] {strides = array<i32>} : memref<64x128xf32, #tpu.memory_space<vmem>>, vector<1x16xf32>,
          %get3A_185 = vector.shape_cast %get3A_184 : vector<1x16xf32> to vector<16xf32>
          %add3A_186 = arith.addf %add3A_181, %get3A_185 : vector<16xf32>
          %ge3A_187 = arith.constant 0.000000e+00 : f32
          %ge3A_188 = vector.broadcast %ge3A_187 : f32 to vector<16xf32>
          %ge3A_189 = arith.cmpf oge, %add3A_186, %ge3A_188 : vector<16xf32>
          %mul3A_190 = arith.constant 2.000000e-01 : f32
          %mul3A_191 = vector.broadcast %mul3A_190 : f32 to vector<16xf32>
          %mul3A_192 = arith.mulf %mul3A_191, %add3A_186 : vector<16xf32>
          %select_n3A_193 = arith.select %ge3A_189, %add3A_186, %mul3A_192 : vector<16xi1>, vector<16xf32>
          %exp3A_194 = math.exp %select_n3A_193 : vector<16xf32>
          %swap3A_195 = arith.index_cast %scan3A_59 : i32 to index
          %swap3A_196 = arith.constant 64 : index
          %swap3A_197 = tpu.vector_load %arg13[%swap3A_195, %swap3A_196] {strides = array<i32>} : memref<64x128xf32, #tpu.memory_space<vmem>>, vector<1x16xf32>,
          %swap3A_198 = vector.shape_cast %swap3A_197 : vector<1x16xf32> to vector<16xf32>
          %swap3A_199 = vector.shape_cast %exp3A_194 : vector<16xf32> to vector<1x16xf32>
          tpu.vector_store %arg13[%swap3A_195, %swap3A_196], %swap3A_199 {strides = array<i32>} : memref<64x128xf32, #tpu.memory_space<vmem>>, vector<1x16xf32>,
          %get3A_200 = arith.index_cast %scan3A_59 : i32 to index
          %get3A_201 = arith.constant 80 : index
          %get3A_202 = tpu.vector_load %arg11[%get3A_200, %get3A_201] {strides = array<i32>} : memref<128x128xf32, #tpu.memory_space<vmem>>, vector<1x16xf32>,
          %get3A_203 = vector.shape_cast %get3A_202 : vector<1x16xf32> to vector<16xf32>
          %add3A_204 = arith.constant 64 : i32
          %add3A_205 = arith.addi %scan3A_59, %add3A_204 : i32
          %get3A_206 = arith.index_cast %add3A_205 : i32 to index
          %get3A_207 = arith.constant 80 : index
          %get3A_208 = tpu.vector_load %arg11[%get3A_206, %get3A_207] {strides = array<i32>} : memref<128x128xf32, #tpu.memory_space<vmem>>, vector<1x16xf32>,
          %get3A_209 = vector.shape_cast %get3A_208 : vector<1x16xf32> to vector<16xf32>
          %add3A_210 = arith.addf %get3A_203, %get3A_209 : vector<16xf32>
          %get3A_211 = arith.index_cast %scan3A_59 : i32 to index
          %get3A_212 = arith.constant 80 : index
          %get3A_213 = tpu.vector_load %arg12[%get3A_211, %get3A_212] {strides = array<i32>} : memref<64x128xf32, #tpu.memory_space<vmem>>, vector<1x16xf32>,
          %get3A_214 = vector.shape_cast %get3A_213 : vector<1x16xf32> to vector<16xf32>
          %add3A_215 = arith.addf %add3A_210, %get3A_214 : vector<16xf32>
          %ge3A_216 = arith.constant 0.000000e+00 : f32
          %ge3A_217 = vector.broadcast %ge3A_216 : f32 to vector<16xf32>
          %ge3A_218 = arith.cmpf oge, %add3A_215, %ge3A_217 : vector<16xf32>
          %mul3A_219 = arith.constant 2.000000e-01 : f32
          %mul3A_220 = vector.broadcast %mul3A_219 : f32 to vector<16xf32>
          %mul3A_221 = arith.mulf %mul3A_220, %add3A_215 : vector<16xf32>
          %select_n3A_222 = arith.select %ge3A_218, %add3A_215, %mul3A_221 : vector<16xi1>, vector<16xf32>
          %exp3A_223 = math.exp %select_n3A_222 : vector<16xf32>
          %swap3A_224 = arith.index_cast %scan3A_59 : i32 to index
          %swap3A_225 = arith.constant 80 : index
          %swap3A_226 = tpu.vector_load %arg13[%swap3A_224, %swap3A_225] {strides = array<i32>} : memref<64x128xf32, #tpu.memory_space<vmem>>, vector<1x16xf32>,
          %swap3A_227 = vector.shape_cast %swap3A_226 : vector<1x16xf32> to vector<16xf32>
          %swap3A_228 = vector.shape_cast %exp3A_223 : vector<16xf32> to vector<1x16xf32>
          tpu.vector_store %arg13[%swap3A_224, %swap3A_225], %swap3A_228 {strides = array<i32>} : memref<64x128xf32, #tpu.memory_space<vmem>>, vector<1x16xf32>,
          %get3A_229 = arith.index_cast %scan3A_59 : i32 to index
          %get3A_230 = arith.constant 96 : index
          %get3A_231 = tpu.vector_load %arg11[%get3A_229, %get3A_230] {strides = array<i32>} : memref<128x128xf32, #tpu.memory_space<vmem>>, vector<1x16xf32>,
          %get3A_232 = vector.shape_cast %get3A_231 : vector<1x16xf32> to vector<16xf32>
          %add3A_233 = arith.constant 64 : i32
          %add3A_234 = arith.addi %scan3A_59, %add3A_233 : i32
          %get3A_235 = arith.index_cast %add3A_234 : i32 to index
          %get3A_236 = arith.constant 96 : index
          %get3A_237 = tpu.vector_load %arg11[%get3A_235, %get3A_236] {strides = array<i32>} : memref<128x128xf32, #tpu.memory_space<vmem>>, vector<1x16xf32>,
          %get3A_238 = vector.shape_cast %get3A_237 : vector<1x16xf32> to vector<16xf32>
          %add3A_239 = arith.addf %get3A_232, %get3A_238 : vector<16xf32>
          %get3A_240 = arith.index_cast %scan3A_59 : i32 to index
          %get3A_241 = arith.constant 96 : index
          %get3A_242 = tpu.vector_load %arg12[%get3A_240, %get3A_241] {strides = array<i32>} : memref<64x128xf32, #tpu.memory_space<vmem>>, vector<1x16xf32>,
          %get3A_243 = vector.shape_cast %get3A_242 : vector<1x16xf32> to vector<16xf32>
          %add3A_244 = arith.addf %add3A_239, %get3A_243 : vector<16xf32>
          %ge3A_245 = arith.constant 0.000000e+00 : f32
          %ge3A_246 = vector.broadcast %ge3A_245 : f32 to vector<16xf32>
          %ge3A_247 = arith.cmpf oge, %add3A_244, %ge3A_246 : vector<16xf32>
          %mul3A_248 = arith.constant 2.000000e-01 : f32
          %mul3A_249 = vector.broadcast %mul3A_248 : f32 to vector<16xf32>
          %mul3A_250 = arith.mulf %mul3A_249, %add3A_244 : vector<16xf32>
          %select_n3A_251 = arith.select %ge3A_247, %add3A_244, %mul3A_250 : vector<16xi1>, vector<16xf32>
          %exp3A_252 = math.exp %select_n3A_251 : vector<16xf32>
          %swap3A_253 = arith.index_cast %scan3A_59 : i32 to index
          %swap3A_254 = arith.constant 96 : index
          %swap3A_255 = tpu.vector_load %arg13[%swap3A_253, %swap3A_254] {strides = array<i32>} : memref<64x128xf32, #tpu.memory_space<vmem>>, vector<1x16xf32>,
          %swap3A_256 = vector.shape_cast %swap3A_255 : vector<1x16xf32> to vector<16xf32>
          %swap3A_257 = vector.shape_cast %exp3A_252 : vector<16xf32> to vector<1x16xf32>
          tpu.vector_store %arg13[%swap3A_253, %swap3A_254], %swap3A_257 {strides = array<i32>} : memref<64x128xf32, #tpu.memory_space<vmem>>, vector<1x16xf32>,
          %get3A_258 = arith.index_cast %scan3A_59 : i32 to index
          %get3A_259 = arith.constant 112 : index
          %get3A_260 = tpu.vector_load %arg11[%get3A_258, %get3A_259] {strides = array<i32>} : memref<128x128xf32, #tpu.memory_space<vmem>>, vector<1x16xf32>,
          %get3A_261 = vector.shape_cast %get3A_260 : vector<1x16xf32> to vector<16xf32>
          %add3A_262 = arith.constant 64 : i32
          %add3A_263 = arith.addi %scan3A_59, %add3A_262 : i32
          %get3A_264 = arith.index_cast %add3A_263 : i32 to index
          %get3A_265 = arith.constant 112 : index
          %get3A_266 = tpu.vector_load %arg11[%get3A_264, %get3A_265] {strides = array<i32>} : memref<128x128xf32, #tpu.memory_space<vmem>>, vector<1x16xf32>,
          %get3A_267 = vector.shape_cast %get3A_266 : vector<1x16xf32> to vector<16xf32>
          %add3A_268 = arith.addf %get3A_261, %get3A_267 : vector<16xf32>
          %get3A_269 = arith.index_cast %scan3A_59 : i32 to index
          %get3A_270 = arith.constant 112 : index
          %get3A_271 = tpu.vector_load %arg12[%get3A_269, %get3A_270] {strides = array<i32>} : memref<64x128xf32, #tpu.memory_space<vmem>>, vector<1x16xf32>,
          %get3A_272 = vector.shape_cast %get3A_271 : vector<1x16xf32> to vector<16xf32>
          %add3A_273 = arith.addf %add3A_268, %get3A_272 : vector<16xf32>
          %ge3A_274 = arith.constant 0.000000e+00 : f32
          %ge3A_275 = vector.broadcast %ge3A_274 : f32 to vector<16xf32>
          %ge3A_276 = arith.cmpf oge, %add3A_273, %ge3A_275 : vector<16xf32>
          %mul3A_277 = arith.constant 2.000000e-01 : f32
          %mul3A_278 = vector.broadcast %mul3A_277 : f32 to vector<16xf32>
          %mul3A_279 = arith.mulf %mul3A_278, %add3A_273 : vector<16xf32>
          %select_n3A_280 = arith.select %ge3A_276, %add3A_273, %mul3A_279 : vector<16xi1>, vector<16xf32>
          %exp3A_281 = math.exp %select_n3A_280 : vector<16xf32>
          %swap3A_282 = arith.index_cast %scan3A_59 : i32 to index
          %swap3A_283 = arith.constant 112 : index
          %swap3A_284 = tpu.vector_load %arg13[%swap3A_282, %swap3A_283] {strides = array<i32>} : memref<64x128xf32, #tpu.memory_space<vmem>>, vector<1x16xf32>,
          %swap3A_285 = vector.shape_cast %swap3A_284 : vector<1x16xf32> to vector<16xf32>
          %swap3A_286 = vector.shape_cast %exp3A_281 : vector<16xf32> to vector<1x16xf32>
          tpu.vector_store %arg13[%swap3A_282, %swap3A_283], %swap3A_286 {strides = array<i32>} : memref<64x128xf32, #tpu.memory_space<vmem>>, vector<1x16xf32>,
        }
        %scan3A_58 = arith.constant 64 : i32
        "tpu.region"() ({
          %run_scoped3A = tpu.sem_alloc : memref<!tpu.dma_semaphore, #tpu.memory_space<semaphore_mem>>
          %dma_start3A_59 = arith.constant 0 : i32
          %dma_start3A_60 = tpu.memref_slice %arg7[%multiple_of3A_48, %dma_start3A_59] : memref<320000x128xf32, #tpu.memory_space<hbm>> -> memref<64x128xf32, #tpu.memory_space<hbm>>
          %dma_start3A_61 = arith.constant 0 : i32
          %dma_start3A_62 = tpu.memref_slice %arg7[%multiple_of3A_48, %dma_start3A_61] : memref<320000x128xf32, #tpu.memory_space<hbm>> -> memref<64x128xf32, #tpu.memory_space<hbm>>
          tpu.enqueue_dma source(%arg13 : memref<64x128xf32, #tpu.memory_space<vmem>>) target(%dma_start3A_62 : memref<64x128xf32, #tpu.memory_space<hbm>>) target_semaphore(%run_scoped3A : memref<!tpu.dma_semaphore, #tpu.memory_space<semaphore_mem>>)
          %dma_wait3A_63 = arith.constant 0 : i32
          %dma_wait3A_64 = tpu.memref_slice %arg7[%multiple_of3A_48, %dma_wait3A_63] : memref<320000x128xf32, #tpu.memory_space<hbm>> -> memref<64x128xf32, #tpu.memory_space<hbm>>
          %dma_wait3A_65 = arith.constant 0 : i32
          %dma_wait3A_66 = tpu.memref_slice %arg7[%multiple_of3A_48, %dma_wait3A_65] : memref<320000x128xf32, #tpu.memory_space<hbm>> -> memref<64x128xf32, #tpu.memory_space<hbm>>
          tpu.wait_dma2 semaphore(%run_scoped3A : memref<!tpu.dma_semaphore, #tpu.memory_space<semaphore_mem>>) src(%arg13 : memref<64x128xf32, #tpu.memory_space<vmem>>) dst(%dma_wait3A_66 : memref<64x128xf32, #tpu.memory_space<hbm>>)
          tpu.yield
        }) : () -> ()
        "tpu.region"() ({
          %run_scoped3A = tpu.sem_alloc : memref<!tpu.dma_semaphore, #tpu.memory_space<semaphore_mem>>
          %dma_start3A_59 = arith.constant 0 : i32
          %dma_start3A_60 = arith.constant 0 : i32
          %dma_start3A_61 = tpu.memref_slice %arg15[%dma_start3A_59, %dma_start3A_60] : memref<10000x128xf32, #tpu.memory_space<vmem_shared>> -> memref<10000x128xf32, #tpu.memory_space<vmem_shared>>
          tpu.enqueue_indirect_dma source(%arg13 : memref<64x128xf32, #tpu.memory_space<vmem>>) target(%dma_start3A_61 : memref<10000x128xf32, #tpu.memory_space<vmem_shared>>) offsets(%arg10 : memref<64xi32, #tpu.memory_space<vmem>>) semaphore(%run_scoped3A : memref<!tpu.dma_semaphore, #tpu.memory_space<semaphore_mem>>) {add = true}
          %dma_wait3A_62 = arith.constant 0 : i32
          %dma_wait3A_63 = arith.constant 0 : i32
          %dma_wait3A_64 = tpu.memref_slice %arg15[%dma_wait3A_62, %dma_wait3A_63] : memref<10000x128xf32, #tpu.memory_space<vmem_shared>> -> memref<10000x128xf32, #tpu.memory_space<vmem_shared>>
          tpu.wait_indirect_dma semaphore(%run_scoped3A : memref<!tpu.dma_semaphore, #tpu.memory_space<semaphore_mem>>) src(%arg13 : memref<64x128xf32, #tpu.memory_space<vmem>>) dst(%dma_wait3A_64 : memref<10000x128xf32, #tpu.memory_space<vmem_shared>>)
          tpu.yield
        }) : () -> ()
      } else {
      }
    }
    %scan3A_17 = arith.constant 157 : i32
    %barrier3A_18 = arith.constant 0 : index
    tpu.barrier barrier_id(%barrier3A_18)
    %mul3A_19 = arith.constant 632 : i32
    %mul3A_20 = arith.muli %arg1, %mul3A_19 : i32
    %multiple_of3A_21 = tpu.assume_multiple %mul3A_20, 8 : i32
    %lt3A_22 = arith.constant 15 : i32
    %lt3A_23 = arith.cmpi slt, %arg1, %lt3A_22 : i32
    %convert_element_type3A_24 = arith.extui %lt3A_23 : i1 to i32
    %cond3A_25 = arith.constant 0 : i32
    %cond3A_26 = arith.cmpi ne, %convert_element_type3A_24, %cond3A_25 : i32
    scf.if %cond3A_26 {
      %add3A = arith.addi %multiple_of3A_3, %multiple_of3A_21 : i32
      %multiple_of3A_32 = tpu.assume_multiple %add3A, 8 : i32
      "tpu.region"() ({
        %run_scoped3A = tpu.sem_alloc : memref<!tpu.dma_semaphore, #tpu.memory_space<semaphore_mem>>
        %dma_start3A = arith.constant 0 : i32
        %dma_start3A_33 = tpu.memref_slice %arg8[%multiple_of3A_32, %dma_start3A] : memref<20000x128xf32, #tpu.memory_space<hbm>> -> memref<632x128xf32, #tpu.memory_space<hbm>>
        %dma_start3A_34 = arith.constant 0 : i32
        %dma_start3A_35 = tpu.memref_slice %arg15[%multiple_of3A_21, %dma_start3A_34] : memref<10000x128xf32, #tpu.memory_space<vmem_shared>> -> memref<632x128xf32, #tpu.memory_space<vmem_shared>>
        tpu.enqueue_dma source(%dma_start3A_35 : memref<632x128xf32, #tpu.memory_space<vmem_shared>>) target(%dma_start3A_33 : memref<632x128xf32, #tpu.memory_space<hbm>>) target_semaphore(%run_scoped3A : memref<!tpu.dma_semaphore, #tpu.memory_space<semaphore_mem>>)
        %dma_wait3A = arith.constant 0 : i32
        %dma_wait3A_36 = tpu.memref_slice %arg8[%multiple_of3A_32, %dma_wait3A] : memref<20000x128xf32, #tpu.memory_space<hbm>> -> memref<632x128xf32, #tpu.memory_space<hbm>>
        %dma_wait3A_37 = arith.constant 0 : i32
        %dma_wait3A_38 = tpu.memref_slice %arg15[%multiple_of3A_21, %dma_wait3A_37] : memref<10000x128xf32, #tpu.memory_space<vmem_shared>> -> memref<632x128xf32, #tpu.memory_space<vmem_shared>>
        tpu.wait_dma2 semaphore(%run_scoped3A : memref<!tpu.dma_semaphore, #tpu.memory_space<semaphore_mem>>) src(%dma_wait3A_38 : memref<632x128xf32, #tpu.memory_space<vmem_shared>>) dst(%dma_wait3A_36 : memref<632x128xf32, #tpu.memory_space<hbm>>)
        tpu.yield
      }) : () -> ()
    } else {
    }
    %eq3A_27 = arith.constant 15 : i32
    %eq3A_28 = arith.cmpi eq, %arg1, %eq3A_27 : i32
    %convert_element_type3A_29 = arith.extui %eq3A_28 : i1 to i32
    %cond3A_30 = arith.constant 0 : i32
    %cond3A_31 = arith.cmpi ne, %convert_element_type3A_29, %cond3A_30 : i32
    scf.if %cond3A_31 {
      %add3A = arith.constant 9480 : i32
      %add3A_32 = arith.addi %multiple_of3A_3, %add3A : i32
      %multiple_of3A_33 = tpu.assume_multiple %add3A_32, 8 : i32
      "tpu.region"() ({
        %run_scoped3A = tpu.sem_alloc : memref<!tpu.dma_semaphore, #tpu.memory_space<semaphore_mem>>
        %dma_start3A = arith.constant 0 : i32
        %dma_start3A_34 = tpu.memref_slice %arg8[%multiple_of3A_33, %dma_start3A] : memref<20000x128xf32, #tpu.memory_space<hbm>> -> memref<520x128xf32, #tpu.memory_space<hbm>>
        %dma_start3A_35 = arith.constant 9480 : i32
        %dma_start3A_36 = arith.constant 0 : i32
        %dma_start3A_37 = tpu.memref_slice %arg15[%dma_start3A_35, %dma_start3A_36] : memref<10000x128xf32, #tpu.memory_space<vmem_shared>> -> memref<520x128xf32, #tpu.memory_space<vmem_shared>>
        tpu.enqueue_dma source(%dma_start3A_37 : memref<520x128xf32, #tpu.memory_space<vmem_shared>>) target(%dma_start3A_34 : memref<520x128xf32, #tpu.memory_space<hbm>>) target_semaphore(%run_scoped3A : memref<!tpu.dma_semaphore, #tpu.memory_space<semaphore_mem>>)
        %dma_wait3A = arith.constant 0 : i32
        %dma_wait3A_38 = tpu.memref_slice %arg8[%multiple_of3A_33, %dma_wait3A] : memref<20000x128xf32, #tpu.memory_space<hbm>> -> memref<520x128xf32, #tpu.memory_space<hbm>>
        %dma_wait3A_39 = arith.constant 9480 : i32
        %dma_wait3A_40 = arith.constant 0 : i32
        %dma_wait3A_41 = tpu.memref_slice %arg15[%dma_wait3A_39, %dma_wait3A_40] : memref<10000x128xf32, #tpu.memory_space<vmem_shared>> -> memref<520x128xf32, #tpu.memory_space<vmem_shared>>
        tpu.wait_dma2 semaphore(%run_scoped3A : memref<!tpu.dma_semaphore, #tpu.memory_space<semaphore_mem>>) src(%dma_wait3A_41 : memref<520x128xf32, #tpu.memory_space<vmem_shared>>) dst(%dma_wait3A_38 : memref<520x128xf32, #tpu.memory_space<hbm>>)
        tpu.yield
      }) : () -> ()
    } else {
    }
    return
  }
}

#map = affine_map<(d0, d1) -> (0, 0)>
#map1 = affine_map<(d0, d1) -> (0)>
module attributes {stable_mosaic.version = 14 : i64} {
  func.func @_sc_pass_b(%arg0: i32, %arg1: i32, %arg2: memref<20000x128xf32, #tpu.memory_space<hbm>>, %arg3: memref<320000x128xf32, #tpu.memory_space<hbm>>, %arg4: memref<640000xi32, #tpu.memory_space<hbm>>, %arg5: memref<320000xi32, #tpu.memory_space<hbm>>, %arg6: memref<632x128xf32, #tpu.memory_space<hbm>>, %arg7: memref<20000x128xf32, #tpu.memory_space<hbm>>, %arg8: memref<128xi32, #tpu.memory_space<vmem>>, %arg9: memref<64xi32, #tpu.memory_space<vmem>>, %arg10: memref<128x128xf32, #tpu.memory_space<vmem>>, %arg11: memref<64x128xf32, #tpu.memory_space<vmem>>, %arg12: memref<!tpu.dma_semaphore, #tpu.memory_space<semaphore_mem>>, %arg13: memref<10000x128xf32, #tpu.memory_space<vmem_shared>>) attributes {dimension_semantics = [#tpu.dimension_semantics<core_parallel>, #tpu.dimension_semantics<subcore_parallel>], iteration_bounds = array<i64: 2, 16>, scalar_prefetch = 0 : i64, scratch_operands = 6 : i64, tpu.core_type = #tpu.core_type<sc_vector_subcore>, window_params = [{transform_indices = #map}, {transform_indices = #map}, {transform_indices = #map1}, {transform_indices = #map1}, {transform_indices = #map}, {transform_indices = #map}]} {
    %mul3A = arith.constant 2500 : i32
    %mul3A_0 = arith.muli %arg0, %mul3A : i32
    %multiple_of3A = tpu.assume_multiple %mul3A_0, 4 : i32
    %mul3A_1 = arith.constant 10000 : i32
    %mul3A_2 = arith.muli %arg0, %mul3A_1 : i32
    %multiple_of3A_3 = tpu.assume_multiple %mul3A_2, 8 : i32
    %mul3A_4 = arith.constant 632 : i32
    %mul3A_5 = arith.muli %arg1, %mul3A_4 : i32
    %multiple_of3A_6 = tpu.assume_multiple %mul3A_5, 8 : i32
    %lt3A = arith.constant 15 : i32
    %lt3A_7 = arith.cmpi slt, %arg1, %lt3A : i32
    %convert_element_type3A = arith.extui %lt3A_7 : i1 to i32
    %cond3A = arith.constant 0 : i32
    %cond3A_8 = arith.cmpi ne, %convert_element_type3A, %cond3A : i32
    scf.if %cond3A_8 {
      "tpu.region"() ({
        %run_scoped3A = tpu.sem_alloc : memref<!tpu.dma_semaphore, #tpu.memory_space<semaphore_mem>>
        %dma_start3A = arith.constant 0 : i32
        %dma_start3A_32 = tpu.memref_slice %arg13[%multiple_of3A_6, %dma_start3A] : memref<10000x128xf32, #tpu.memory_space<vmem_shared>> -> memref<632x128xf32, #tpu.memory_space<vmem_shared>>
        %dma_start3A_33 = arith.constant 0 : i32
        %dma_start3A_34 = arith.constant 0 : i32
        %dma_start3A_35 = tpu.memref_slice %arg6[%dma_start3A_33, %dma_start3A_34] : memref<632x128xf32, #tpu.memory_space<hbm>> -> memref<632x128xf32, #tpu.memory_space<hbm>>
        tpu.enqueue_dma source(%dma_start3A_35 : memref<632x128xf32, #tpu.memory_space<hbm>>) target(%dma_start3A_32 : memref<632x128xf32, #tpu.memory_space<vmem_shared>>) target_semaphore(%run_scoped3A : memref<!tpu.dma_semaphore, #tpu.memory_space<semaphore_mem>>)
        %dma_wait3A = arith.constant 0 : i32
        %dma_wait3A_36 = tpu.memref_slice %arg13[%multiple_of3A_6, %dma_wait3A] : memref<10000x128xf32, #tpu.memory_space<vmem_shared>> -> memref<632x128xf32, #tpu.memory_space<vmem_shared>>
        %dma_wait3A_37 = arith.constant 0 : i32
        %dma_wait3A_38 = arith.constant 0 : i32
        %dma_wait3A_39 = tpu.memref_slice %arg6[%dma_wait3A_37, %dma_wait3A_38] : memref<632x128xf32, #tpu.memory_space<hbm>> -> memref<632x128xf32, #tpu.memory_space<hbm>>
        tpu.wait_dma2 semaphore(%run_scoped3A : memref<!tpu.dma_semaphore, #tpu.memory_space<semaphore_mem>>) src(%dma_wait3A_39 : memref<632x128xf32, #tpu.memory_space<hbm>>) dst(%dma_wait3A_36 : memref<632x128xf32, #tpu.memory_space<vmem_shared>>)
        tpu.yield
      }) : () -> ()
    } else {
    }
    %eq3A = arith.constant 15 : i32
    %eq3A_9 = arith.cmpi eq, %arg1, %eq3A : i32
    %convert_element_type3A_10 = arith.extui %eq3A_9 : i1 to i32
    %cond3A_11 = arith.constant 0 : i32
    %cond3A_12 = arith.cmpi ne, %convert_element_type3A_10, %cond3A_11 : i32
    scf.if %cond3A_12 {
      "tpu.region"() ({
        %run_scoped3A = tpu.sem_alloc : memref<!tpu.dma_semaphore, #tpu.memory_space<semaphore_mem>>
        %dma_start3A = arith.constant 9480 : i32
        %dma_start3A_32 = arith.constant 0 : i32
        %dma_start3A_33 = tpu.memref_slice %arg13[%dma_start3A, %dma_start3A_32] : memref<10000x128xf32, #tpu.memory_space<vmem_shared>> -> memref<520x128xf32, #tpu.memory_space<vmem_shared>>
        %dma_start3A_34 = arith.constant 0 : i32
        %dma_start3A_35 = arith.constant 0 : i32
        %dma_start3A_36 = tpu.memref_slice %arg6[%dma_start3A_34, %dma_start3A_35] : memref<632x128xf32, #tpu.memory_space<hbm>> -> memref<520x128xf32, #tpu.memory_space<hbm>>
        tpu.enqueue_dma source(%dma_start3A_36 : memref<520x128xf32, #tpu.memory_space<hbm>>) target(%dma_start3A_33 : memref<520x128xf32, #tpu.memory_space<vmem_shared>>) target_semaphore(%run_scoped3A : memref<!tpu.dma_semaphore, #tpu.memory_space<semaphore_mem>>)
        %dma_wait3A = arith.constant 9480 : i32
        %dma_wait3A_37 = arith.constant 0 : i32
        %dma_wait3A_38 = tpu.memref_slice %arg13[%dma_wait3A, %dma_wait3A_37] : memref<10000x128xf32, #tpu.memory_space<vmem_shared>> -> memref<520x128xf32, #tpu.memory_space<vmem_shared>>
        %dma_wait3A_39 = arith.constant 0 : i32
        %dma_wait3A_40 = arith.constant 0 : i32
        %dma_wait3A_41 = tpu.memref_slice %arg6[%dma_wait3A_39, %dma_wait3A_40] : memref<632x128xf32, #tpu.memory_space<hbm>> -> memref<520x128xf32, #tpu.memory_space<hbm>>
        tpu.wait_dma2 semaphore(%run_scoped3A : memref<!tpu.dma_semaphore, #tpu.memory_space<semaphore_mem>>) src(%dma_wait3A_41 : memref<520x128xf32, #tpu.memory_space<hbm>>) dst(%dma_wait3A_38 : memref<520x128xf32, #tpu.memory_space<vmem_shared>>)
        tpu.yield
      }) : () -> ()
    } else {
    }
    %barrier3A = arith.constant 0 : index
    tpu.barrier barrier_id(%barrier3A)
    %scan3A = arith.constant 0 : i32
    %scan3A_13 = arith.constant 0 : i32
    %scan3A_14 = arith.constant 157 : i32
    %scan3A_15 = arith.addi %scan3A_13, %scan3A_14 : i32
    %scan3A_16 = arith.constant 1 : i32
    scf.for %scan3A_32 = %scan3A_13 to %scan3A_15 step %scan3A_16  : i32 {
      %mul3A_33 = arith.constant 16 : i32
      %mul3A_34 = arith.muli %scan3A_32, %mul3A_33 : i32
      %add3A = arith.addi %mul3A_34, %arg1 : i32
      %lt3A_35 = arith.constant 2500 : i32
      %lt3A_36 = arith.cmpi slt, %add3A, %lt3A_35 : i32
      %convert_element_type3A_37 = arith.extui %lt3A_36 : i1 to i32
      %cond3A_38 = arith.constant 0 : i32
      %cond3A_39 = arith.cmpi ne, %convert_element_type3A_37, %cond3A_38 : i32
      scf.if %cond3A_39 {
        %add3A_40 = arith.addi %multiple_of3A, %add3A : i32
        %mul3A_41 = arith.constant 2 : i32
        %mul3A_42 = arith.muli %add3A_40, %mul3A_41 : i32
        %mul3A_43 = arith.constant 64 : i32
        %mul3A_44 = arith.muli %mul3A_42, %mul3A_43 : i32
        %multiple_of3A_45 = tpu.assume_multiple %mul3A_44, 128 : i32
        %mul3A_46 = arith.constant 64 : i32
        %mul3A_47 = arith.muli %add3A_40, %mul3A_46 : i32
        %multiple_of3A_48 = tpu.assume_multiple %mul3A_47, 8 : i32
        "tpu.region"() ({
          %run_scoped3A = tpu.sem_alloc : memref<!tpu.dma_semaphore, #tpu.memory_space<semaphore_mem>>
          %dma_start3A_59 = tpu.memref_slice %arg4[%multiple_of3A_45] : memref<640000xi32, #tpu.memory_space<hbm>> -> memref<128xi32, #tpu.memory_space<hbm>>
          %dma_start3A_60 = tpu.memref_slice %arg4[%multiple_of3A_45] : memref<640000xi32, #tpu.memory_space<hbm>> -> memref<128xi32, #tpu.memory_space<hbm>>
          tpu.enqueue_dma source(%dma_start3A_60 : memref<128xi32, #tpu.memory_space<hbm>>) target(%arg8 : memref<128xi32, #tpu.memory_space<vmem>>) target_semaphore(%run_scoped3A : memref<!tpu.dma_semaphore, #tpu.memory_space<semaphore_mem>>)
          %dma_wait3A_61 = tpu.memref_slice %arg4[%multiple_of3A_45] : memref<640000xi32, #tpu.memory_space<hbm>> -> memref<128xi32, #tpu.memory_space<hbm>>
          %dma_wait3A_62 = tpu.memref_slice %arg4[%multiple_of3A_45] : memref<640000xi32, #tpu.memory_space<hbm>> -> memref<128xi32, #tpu.memory_space<hbm>>
          tpu.wait_dma2 semaphore(%run_scoped3A : memref<!tpu.dma_semaphore, #tpu.memory_space<semaphore_mem>>) src(%dma_wait3A_62 : memref<128xi32, #tpu.memory_space<hbm>>) dst(%arg8 : memref<128xi32, #tpu.memory_space<vmem>>)
          tpu.yield
        }) : () -> ()
        "tpu.region"() ({
          %run_scoped3A = tpu.sem_alloc : memref<!tpu.dma_semaphore, #tpu.memory_space<semaphore_mem>>
          %dma_start3A_59 = tpu.memref_slice %arg5[%multiple_of3A_48] : memref<320000xi32, #tpu.memory_space<hbm>> -> memref<64xi32, #tpu.memory_space<hbm>>
          %dma_start3A_60 = tpu.memref_slice %arg5[%multiple_of3A_48] : memref<320000xi32, #tpu.memory_space<hbm>> -> memref<64xi32, #tpu.memory_space<hbm>>
          tpu.enqueue_dma source(%dma_start3A_60 : memref<64xi32, #tpu.memory_space<hbm>>) target(%arg9 : memref<64xi32, #tpu.memory_space<vmem>>) target_semaphore(%run_scoped3A : memref<!tpu.dma_semaphore, #tpu.memory_space<semaphore_mem>>)
          %dma_wait3A_61 = tpu.memref_slice %arg5[%multiple_of3A_48] : memref<320000xi32, #tpu.memory_space<hbm>> -> memref<64xi32, #tpu.memory_space<hbm>>
          %dma_wait3A_62 = tpu.memref_slice %arg5[%multiple_of3A_48] : memref<320000xi32, #tpu.memory_space<hbm>> -> memref<64xi32, #tpu.memory_space<hbm>>
          tpu.wait_dma2 semaphore(%run_scoped3A : memref<!tpu.dma_semaphore, #tpu.memory_space<semaphore_mem>>) src(%dma_wait3A_62 : memref<64xi32, #tpu.memory_space<hbm>>) dst(%arg9 : memref<64xi32, #tpu.memory_space<vmem>>)
          tpu.yield
        }) : () -> ()
        %dma_start3A = arith.constant 0 : i32
        %dma_start3A_49 = arith.constant 0 : i32
        %dma_start3A_50 = tpu.memref_slice %arg2[%dma_start3A, %dma_start3A_49] : memref<20000x128xf32, #tpu.memory_space<hbm>> -> memref<20000x128xf32, #tpu.memory_space<hbm>>
        tpu.enqueue_indirect_dma source(%dma_start3A_50 : memref<20000x128xf32, #tpu.memory_space<hbm>>) target(%arg10 : memref<128x128xf32, #tpu.memory_space<vmem>>) offsets(%arg8 : memref<128xi32, #tpu.memory_space<vmem>>) semaphore(%arg12 : memref<!tpu.dma_semaphore, #tpu.memory_space<semaphore_mem>>)
        %dma_wait3A = arith.constant 0 : i32
        %dma_wait3A_51 = arith.constant 0 : i32
        %dma_wait3A_52 = tpu.memref_slice %arg2[%dma_wait3A, %dma_wait3A_51] : memref<20000x128xf32, #tpu.memory_space<hbm>> -> memref<20000x128xf32, #tpu.memory_space<hbm>>
        tpu.wait_indirect_dma semaphore(%arg12 : memref<!tpu.dma_semaphore, #tpu.memory_space<semaphore_mem>>) src(%dma_wait3A_52 : memref<20000x128xf32, #tpu.memory_space<hbm>>) dst(%arg10 : memref<128x128xf32, #tpu.memory_space<vmem>>)
        "tpu.region"() ({
          %run_scoped3A = tpu.sem_alloc : memref<!tpu.dma_semaphore, #tpu.memory_space<semaphore_mem>>
          %dma_start3A_59 = arith.constant 0 : i32
          %dma_start3A_60 = tpu.memref_slice %arg3[%multiple_of3A_48, %dma_start3A_59] : memref<320000x128xf32, #tpu.memory_space<hbm>> -> memref<64x128xf32, #tpu.memory_space<hbm>>
          %dma_start3A_61 = arith.constant 0 : i32
          %dma_start3A_62 = tpu.memref_slice %arg3[%multiple_of3A_48, %dma_start3A_61] : memref<320000x128xf32, #tpu.memory_space<hbm>> -> memref<64x128xf32, #tpu.memory_space<hbm>>
          tpu.enqueue_dma source(%dma_start3A_62 : memref<64x128xf32, #tpu.memory_space<hbm>>) target(%arg11 : memref<64x128xf32, #tpu.memory_space<vmem>>) target_semaphore(%run_scoped3A : memref<!tpu.dma_semaphore, #tpu.memory_space<semaphore_mem>>)
          %dma_wait3A_63 = arith.constant 0 : i32
          %dma_wait3A_64 = tpu.memref_slice %arg3[%multiple_of3A_48, %dma_wait3A_63] : memref<320000x128xf32, #tpu.memory_space<hbm>> -> memref<64x128xf32, #tpu.memory_space<hbm>>
          %dma_wait3A_65 = arith.constant 0 : i32
          %dma_wait3A_66 = tpu.memref_slice %arg3[%multiple_of3A_48, %dma_wait3A_65] : memref<320000x128xf32, #tpu.memory_space<hbm>> -> memref<64x128xf32, #tpu.memory_space<hbm>>
          tpu.wait_dma2 semaphore(%run_scoped3A : memref<!tpu.dma_semaphore, #tpu.memory_space<semaphore_mem>>) src(%dma_wait3A_66 : memref<64x128xf32, #tpu.memory_space<hbm>>) dst(%arg11 : memref<64x128xf32, #tpu.memory_space<vmem>>)
          tpu.yield
        }) : () -> ()
        %scan3A_53 = arith.constant 0 : i32
        %scan3A_54 = arith.constant 0 : i32
        %scan3A_55 = arith.constant 64 : i32
        %scan3A_56 = arith.addi %scan3A_54, %scan3A_55 : i32
        %scan3A_57 = arith.constant 1 : i32
        scf.for %scan3A_59 = %scan3A_54 to %scan3A_56 step %scan3A_57  : i32 {
          %get3A = arith.index_cast %scan3A_59 : i32 to index
          %get3A_60 = arith.constant 0 : index
          %get3A_61 = tpu.vector_load %arg11[%get3A, %get3A_60] {strides = array<i32>} : memref<64x128xf32, #tpu.memory_space<vmem>>, vector<1x16xf32>,
          %get3A_62 = vector.shape_cast %get3A_61 : vector<1x16xf32> to vector<16xf32>
          %get3A_63 = arith.index_cast %scan3A_59 : i32 to index
          %get3A_64 = arith.constant 0 : index
          %get3A_65 = tpu.vector_load %arg10[%get3A_63, %get3A_64] {strides = array<i32>} : memref<128x128xf32, #tpu.memory_space<vmem>>, vector<1x16xf32>,
          %get3A_66 = vector.shape_cast %get3A_65 : vector<1x16xf32> to vector<16xf32>
          %mul3A_67 = arith.mulf %get3A_62, %get3A_66 : vector<16xf32>
          %add3A_68 = arith.constant 64 : i32
          %add3A_69 = arith.addi %scan3A_59, %add3A_68 : i32
          %get3A_70 = arith.index_cast %add3A_69 : i32 to index
          %get3A_71 = arith.constant 0 : index
          %get3A_72 = tpu.vector_load %arg10[%get3A_70, %get3A_71] {strides = array<i32>} : memref<128x128xf32, #tpu.memory_space<vmem>>, vector<1x16xf32>,
          %get3A_73 = vector.shape_cast %get3A_72 : vector<1x16xf32> to vector<16xf32>
          %mul3A_74 = arith.mulf %mul3A_67, %get3A_73 : vector<16xf32>
          %swap3A = arith.index_cast %scan3A_59 : i32 to index
          %swap3A_75 = arith.constant 0 : index
          %swap3A_76 = tpu.vector_load %arg11[%swap3A, %swap3A_75] {strides = array<i32>} : memref<64x128xf32, #tpu.memory_space<vmem>>, vector<1x16xf32>,
          %swap3A_77 = vector.shape_cast %swap3A_76 : vector<1x16xf32> to vector<16xf32>
          %swap3A_78 = vector.shape_cast %mul3A_74 : vector<16xf32> to vector<1x16xf32>
          tpu.vector_store %arg11[%swap3A, %swap3A_75], %swap3A_78 {strides = array<i32>} : memref<64x128xf32, #tpu.memory_space<vmem>>, vector<1x16xf32>,
          %get3A_79 = arith.index_cast %scan3A_59 : i32 to index
          %get3A_80 = arith.constant 16 : index
          %get3A_81 = tpu.vector_load %arg11[%get3A_79, %get3A_80] {strides = array<i32>} : memref<64x128xf32, #tpu.memory_space<vmem>>, vector<1x16xf32>,
          %get3A_82 = vector.shape_cast %get3A_81 : vector<1x16xf32> to vector<16xf32>
          %get3A_83 = arith.index_cast %scan3A_59 : i32 to index
          %get3A_84 = arith.constant 16 : index
          %get3A_85 = tpu.vector_load %arg10[%get3A_83, %get3A_84] {strides = array<i32>} : memref<128x128xf32, #tpu.memory_space<vmem>>, vector<1x16xf32>,
          %get3A_86 = vector.shape_cast %get3A_85 : vector<1x16xf32> to vector<16xf32>
          %mul3A_87 = arith.mulf %get3A_82, %get3A_86 : vector<16xf32>
          %add3A_88 = arith.constant 64 : i32
          %add3A_89 = arith.addi %scan3A_59, %add3A_88 : i32
          %get3A_90 = arith.index_cast %add3A_89 : i32 to index
          %get3A_91 = arith.constant 16 : index
          %get3A_92 = tpu.vector_load %arg10[%get3A_90, %get3A_91] {strides = array<i32>} : memref<128x128xf32, #tpu.memory_space<vmem>>, vector<1x16xf32>,
          %get3A_93 = vector.shape_cast %get3A_92 : vector<1x16xf32> to vector<16xf32>
          %mul3A_94 = arith.mulf %mul3A_87, %get3A_93 : vector<16xf32>
          %swap3A_95 = arith.index_cast %scan3A_59 : i32 to index
          %swap3A_96 = arith.constant 16 : index
          %swap3A_97 = tpu.vector_load %arg11[%swap3A_95, %swap3A_96] {strides = array<i32>} : memref<64x128xf32, #tpu.memory_space<vmem>>, vector<1x16xf32>,
          %swap3A_98 = vector.shape_cast %swap3A_97 : vector<1x16xf32> to vector<16xf32>
          %swap3A_99 = vector.shape_cast %mul3A_94 : vector<16xf32> to vector<1x16xf32>
          tpu.vector_store %arg11[%swap3A_95, %swap3A_96], %swap3A_99 {strides = array<i32>} : memref<64x128xf32, #tpu.memory_space<vmem>>, vector<1x16xf32>,
          %get3A_100 = arith.index_cast %scan3A_59 : i32 to index
          %get3A_101 = arith.constant 32 : index
          %get3A_102 = tpu.vector_load %arg11[%get3A_100, %get3A_101] {strides = array<i32>} : memref<64x128xf32, #tpu.memory_space<vmem>>, vector<1x16xf32>,
          %get3A_103 = vector.shape_cast %get3A_102 : vector<1x16xf32> to vector<16xf32>
          %get3A_104 = arith.index_cast %scan3A_59 : i32 to index
          %get3A_105 = arith.constant 32 : index
          %get3A_106 = tpu.vector_load %arg10[%get3A_104, %get3A_105] {strides = array<i32>} : memref<128x128xf32, #tpu.memory_space<vmem>>, vector<1x16xf32>,
          %get3A_107 = vector.shape_cast %get3A_106 : vector<1x16xf32> to vector<16xf32>
          %mul3A_108 = arith.mulf %get3A_103, %get3A_107 : vector<16xf32>
          %add3A_109 = arith.constant 64 : i32
          %add3A_110 = arith.addi %scan3A_59, %add3A_109 : i32
          %get3A_111 = arith.index_cast %add3A_110 : i32 to index
          %get3A_112 = arith.constant 32 : index
          %get3A_113 = tpu.vector_load %arg10[%get3A_111, %get3A_112] {strides = array<i32>} : memref<128x128xf32, #tpu.memory_space<vmem>>, vector<1x16xf32>,
          %get3A_114 = vector.shape_cast %get3A_113 : vector<1x16xf32> to vector<16xf32>
          %mul3A_115 = arith.mulf %mul3A_108, %get3A_114 : vector<16xf32>
          %swap3A_116 = arith.index_cast %scan3A_59 : i32 to index
          %swap3A_117 = arith.constant 32 : index
          %swap3A_118 = tpu.vector_load %arg11[%swap3A_116, %swap3A_117] {strides = array<i32>} : memref<64x128xf32, #tpu.memory_space<vmem>>, vector<1x16xf32>,
          %swap3A_119 = vector.shape_cast %swap3A_118 : vector<1x16xf32> to vector<16xf32>
          %swap3A_120 = vector.shape_cast %mul3A_115 : vector<16xf32> to vector<1x16xf32>
          tpu.vector_store %arg11[%swap3A_116, %swap3A_117], %swap3A_120 {strides = array<i32>} : memref<64x128xf32, #tpu.memory_space<vmem>>, vector<1x16xf32>,
          %get3A_121 = arith.index_cast %scan3A_59 : i32 to index
          %get3A_122 = arith.constant 48 : index
          %get3A_123 = tpu.vector_load %arg11[%get3A_121, %get3A_122] {strides = array<i32>} : memref<64x128xf32, #tpu.memory_space<vmem>>, vector<1x16xf32>,
          %get3A_124 = vector.shape_cast %get3A_123 : vector<1x16xf32> to vector<16xf32>
          %get3A_125 = arith.index_cast %scan3A_59 : i32 to index
          %get3A_126 = arith.constant 48 : index
          %get3A_127 = tpu.vector_load %arg10[%get3A_125, %get3A_126] {strides = array<i32>} : memref<128x128xf32, #tpu.memory_space<vmem>>, vector<1x16xf32>,
          %get3A_128 = vector.shape_cast %get3A_127 : vector<1x16xf32> to vector<16xf32>
          %mul3A_129 = arith.mulf %get3A_124, %get3A_128 : vector<16xf32>
          %add3A_130 = arith.constant 64 : i32
          %add3A_131 = arith.addi %scan3A_59, %add3A_130 : i32
          %get3A_132 = arith.index_cast %add3A_131 : i32 to index
          %get3A_133 = arith.constant 48 : index
          %get3A_134 = tpu.vector_load %arg10[%get3A_132, %get3A_133] {strides = array<i32>} : memref<128x128xf32, #tpu.memory_space<vmem>>, vector<1x16xf32>,
          %get3A_135 = vector.shape_cast %get3A_134 : vector<1x16xf32> to vector<16xf32>
          %mul3A_136 = arith.mulf %mul3A_129, %get3A_135 : vector<16xf32>
          %swap3A_137 = arith.index_cast %scan3A_59 : i32 to index
          %swap3A_138 = arith.constant 48 : index
          %swap3A_139 = tpu.vector_load %arg11[%swap3A_137, %swap3A_138] {strides = array<i32>} : memref<64x128xf32, #tpu.memory_space<vmem>>, vector<1x16xf32>,
          %swap3A_140 = vector.shape_cast %swap3A_139 : vector<1x16xf32> to vector<16xf32>
          %swap3A_141 = vector.shape_cast %mul3A_136 : vector<16xf32> to vector<1x16xf32>
          tpu.vector_store %arg11[%swap3A_137, %swap3A_138], %swap3A_141 {strides = array<i32>} : memref<64x128xf32, #tpu.memory_space<vmem>>, vector<1x16xf32>,
          %get3A_142 = arith.index_cast %scan3A_59 : i32 to index
          %get3A_143 = arith.constant 64 : index
          %get3A_144 = tpu.vector_load %arg11[%get3A_142, %get3A_143] {strides = array<i32>} : memref<64x128xf32, #tpu.memory_space<vmem>>, vector<1x16xf32>,
          %get3A_145 = vector.shape_cast %get3A_144 : vector<1x16xf32> to vector<16xf32>
          %get3A_146 = arith.index_cast %scan3A_59 : i32 to index
          %get3A_147 = arith.constant 64 : index
          %get3A_148 = tpu.vector_load %arg10[%get3A_146, %get3A_147] {strides = array<i32>} : memref<128x128xf32, #tpu.memory_space<vmem>>, vector<1x16xf32>,
          %get3A_149 = vector.shape_cast %get3A_148 : vector<1x16xf32> to vector<16xf32>
          %mul3A_150 = arith.mulf %get3A_145, %get3A_149 : vector<16xf32>
          %add3A_151 = arith.constant 64 : i32
          %add3A_152 = arith.addi %scan3A_59, %add3A_151 : i32
          %get3A_153 = arith.index_cast %add3A_152 : i32 to index
          %get3A_154 = arith.constant 64 : index
          %get3A_155 = tpu.vector_load %arg10[%get3A_153, %get3A_154] {strides = array<i32>} : memref<128x128xf32, #tpu.memory_space<vmem>>, vector<1x16xf32>,
          %get3A_156 = vector.shape_cast %get3A_155 : vector<1x16xf32> to vector<16xf32>
          %mul3A_157 = arith.mulf %mul3A_150, %get3A_156 : vector<16xf32>
          %swap3A_158 = arith.index_cast %scan3A_59 : i32 to index
          %swap3A_159 = arith.constant 64 : index
          %swap3A_160 = tpu.vector_load %arg11[%swap3A_158, %swap3A_159] {strides = array<i32>} : memref<64x128xf32, #tpu.memory_space<vmem>>, vector<1x16xf32>,
          %swap3A_161 = vector.shape_cast %swap3A_160 : vector<1x16xf32> to vector<16xf32>
          %swap3A_162 = vector.shape_cast %mul3A_157 : vector<16xf32> to vector<1x16xf32>
          tpu.vector_store %arg11[%swap3A_158, %swap3A_159], %swap3A_162 {strides = array<i32>} : memref<64x128xf32, #tpu.memory_space<vmem>>, vector<1x16xf32>,
          %get3A_163 = arith.index_cast %scan3A_59 : i32 to index
          %get3A_164 = arith.constant 80 : index
          %get3A_165 = tpu.vector_load %arg11[%get3A_163, %get3A_164] {strides = array<i32>} : memref<64x128xf32, #tpu.memory_space<vmem>>, vector<1x16xf32>,
          %get3A_166 = vector.shape_cast %get3A_165 : vector<1x16xf32> to vector<16xf32>
          %get3A_167 = arith.index_cast %scan3A_59 : i32 to index
          %get3A_168 = arith.constant 80 : index
          %get3A_169 = tpu.vector_load %arg10[%get3A_167, %get3A_168] {strides = array<i32>} : memref<128x128xf32, #tpu.memory_space<vmem>>, vector<1x16xf32>,
          %get3A_170 = vector.shape_cast %get3A_169 : vector<1x16xf32> to vector<16xf32>
          %mul3A_171 = arith.mulf %get3A_166, %get3A_170 : vector<16xf32>
          %add3A_172 = arith.constant 64 : i32
          %add3A_173 = arith.addi %scan3A_59, %add3A_172 : i32
          %get3A_174 = arith.index_cast %add3A_173 : i32 to index
          %get3A_175 = arith.constant 80 : index
          %get3A_176 = tpu.vector_load %arg10[%get3A_174, %get3A_175] {strides = array<i32>} : memref<128x128xf32, #tpu.memory_space<vmem>>, vector<1x16xf32>,
          %get3A_177 = vector.shape_cast %get3A_176 : vector<1x16xf32> to vector<16xf32>
          %mul3A_178 = arith.mulf %mul3A_171, %get3A_177 : vector<16xf32>
          %swap3A_179 = arith.index_cast %scan3A_59 : i32 to index
          %swap3A_180 = arith.constant 80 : index
          %swap3A_181 = tpu.vector_load %arg11[%swap3A_179, %swap3A_180] {strides = array<i32>} : memref<64x128xf32, #tpu.memory_space<vmem>>, vector<1x16xf32>,
          %swap3A_182 = vector.shape_cast %swap3A_181 : vector<1x16xf32> to vector<16xf32>
          %swap3A_183 = vector.shape_cast %mul3A_178 : vector<16xf32> to vector<1x16xf32>
          tpu.vector_store %arg11[%swap3A_179, %swap3A_180], %swap3A_183 {strides = array<i32>} : memref<64x128xf32, #tpu.memory_space<vmem>>, vector<1x16xf32>,
          %get3A_184 = arith.index_cast %scan3A_59 : i32 to index
          %get3A_185 = arith.constant 96 : index
          %get3A_186 = tpu.vector_load %arg11[%get3A_184, %get3A_185] {strides = array<i32>} : memref<64x128xf32, #tpu.memory_space<vmem>>, vector<1x16xf32>,
          %get3A_187 = vector.shape_cast %get3A_186 : vector<1x16xf32> to vector<16xf32>
          %get3A_188 = arith.index_cast %scan3A_59 : i32 to index
          %get3A_189 = arith.constant 96 : index
          %get3A_190 = tpu.vector_load %arg10[%get3A_188, %get3A_189] {strides = array<i32>} : memref<128x128xf32, #tpu.memory_space<vmem>>, vector<1x16xf32>,
          %get3A_191 = vector.shape_cast %get3A_190 : vector<1x16xf32> to vector<16xf32>
          %mul3A_192 = arith.mulf %get3A_187, %get3A_191 : vector<16xf32>
          %add3A_193 = arith.constant 64 : i32
          %add3A_194 = arith.addi %scan3A_59, %add3A_193 : i32
          %get3A_195 = arith.index_cast %add3A_194 : i32 to index
          %get3A_196 = arith.constant 96 : index
          %get3A_197 = tpu.vector_load %arg10[%get3A_195, %get3A_196] {strides = array<i32>} : memref<128x128xf32, #tpu.memory_space<vmem>>, vector<1x16xf32>,
          %get3A_198 = vector.shape_cast %get3A_197 : vector<1x16xf32> to vector<16xf32>
          %mul3A_199 = arith.mulf %mul3A_192, %get3A_198 : vector<16xf32>
          %swap3A_200 = arith.index_cast %scan3A_59 : i32 to index
          %swap3A_201 = arith.constant 96 : index
          %swap3A_202 = tpu.vector_load %arg11[%swap3A_200, %swap3A_201] {strides = array<i32>} : memref<64x128xf32, #tpu.memory_space<vmem>>, vector<1x16xf32>,
          %swap3A_203 = vector.shape_cast %swap3A_202 : vector<1x16xf32> to vector<16xf32>
          %swap3A_204 = vector.shape_cast %mul3A_199 : vector<16xf32> to vector<1x16xf32>
          tpu.vector_store %arg11[%swap3A_200, %swap3A_201], %swap3A_204 {strides = array<i32>} : memref<64x128xf32, #tpu.memory_space<vmem>>, vector<1x16xf32>,
          %get3A_205 = arith.index_cast %scan3A_59 : i32 to index
          %get3A_206 = arith.constant 112 : index
          %get3A_207 = tpu.vector_load %arg11[%get3A_205, %get3A_206] {strides = array<i32>} : memref<64x128xf32, #tpu.memory_space<vmem>>, vector<1x16xf32>,
          %get3A_208 = vector.shape_cast %get3A_207 : vector<1x16xf32> to vector<16xf32>
          %get3A_209 = arith.index_cast %scan3A_59 : i32 to index
          %get3A_210 = arith.constant 112 : index
          %get3A_211 = tpu.vector_load %arg10[%get3A_209, %get3A_210] {strides = array<i32>} : memref<128x128xf32, #tpu.memory_space<vmem>>, vector<1x16xf32>,
          %get3A_212 = vector.shape_cast %get3A_211 : vector<1x16xf32> to vector<16xf32>
          %mul3A_213 = arith.mulf %get3A_208, %get3A_212 : vector<16xf32>
          %add3A_214 = arith.constant 64 : i32
          %add3A_215 = arith.addi %scan3A_59, %add3A_214 : i32
          %get3A_216 = arith.index_cast %add3A_215 : i32 to index
          %get3A_217 = arith.constant 112 : index
          %get3A_218 = tpu.vector_load %arg10[%get3A_216, %get3A_217] {strides = array<i32>} : memref<128x128xf32, #tpu.memory_space<vmem>>, vector<1x16xf32>,
          %get3A_219 = vector.shape_cast %get3A_218 : vector<1x16xf32> to vector<16xf32>
          %mul3A_220 = arith.mulf %mul3A_213, %get3A_219 : vector<16xf32>
          %swap3A_221 = arith.index_cast %scan3A_59 : i32 to index
          %swap3A_222 = arith.constant 112 : index
          %swap3A_223 = tpu.vector_load %arg11[%swap3A_221, %swap3A_222] {strides = array<i32>} : memref<64x128xf32, #tpu.memory_space<vmem>>, vector<1x16xf32>,
          %swap3A_224 = vector.shape_cast %swap3A_223 : vector<1x16xf32> to vector<16xf32>
          %swap3A_225 = vector.shape_cast %mul3A_220 : vector<16xf32> to vector<1x16xf32>
          tpu.vector_store %arg11[%swap3A_221, %swap3A_222], %swap3A_225 {strides = array<i32>} : memref<64x128xf32, #tpu.memory_space<vmem>>, vector<1x16xf32>,
        }
        %scan3A_58 = arith.constant 64 : i32
        "tpu.region"() ({
          %run_scoped3A = tpu.sem_alloc : memref<!tpu.dma_semaphore, #tpu.memory_space<semaphore_mem>>
          %dma_start3A_59 = arith.constant 0 : i32
          %dma_start3A_60 = arith.constant 0 : i32
          %dma_start3A_61 = tpu.memref_slice %arg13[%dma_start3A_59, %dma_start3A_60] : memref<10000x128xf32, #tpu.memory_space<vmem_shared>> -> memref<10000x128xf32, #tpu.memory_space<vmem_shared>>
          tpu.enqueue_indirect_dma source(%arg11 : memref<64x128xf32, #tpu.memory_space<vmem>>) target(%dma_start3A_61 : memref<10000x128xf32, #tpu.memory_space<vmem_shared>>) offsets(%arg9 : memref<64xi32, #tpu.memory_space<vmem>>) semaphore(%run_scoped3A : memref<!tpu.dma_semaphore, #tpu.memory_space<semaphore_mem>>) {add = true}
          %dma_wait3A_62 = arith.constant 0 : i32
          %dma_wait3A_63 = arith.constant 0 : i32
          %dma_wait3A_64 = tpu.memref_slice %arg13[%dma_wait3A_62, %dma_wait3A_63] : memref<10000x128xf32, #tpu.memory_space<vmem_shared>> -> memref<10000x128xf32, #tpu.memory_space<vmem_shared>>
          tpu.wait_indirect_dma semaphore(%run_scoped3A : memref<!tpu.dma_semaphore, #tpu.memory_space<semaphore_mem>>) src(%arg11 : memref<64x128xf32, #tpu.memory_space<vmem>>) dst(%dma_wait3A_64 : memref<10000x128xf32, #tpu.memory_space<vmem_shared>>)
          tpu.yield
        }) : () -> ()
      } else {
      }
    }
    %scan3A_17 = arith.constant 157 : i32
    %barrier3A_18 = arith.constant 0 : index
    tpu.barrier barrier_id(%barrier3A_18)
    %mul3A_19 = arith.constant 632 : i32
    %mul3A_20 = arith.muli %arg1, %mul3A_19 : i32
    %multiple_of3A_21 = tpu.assume_multiple %mul3A_20, 8 : i32
    %lt3A_22 = arith.constant 15 : i32
    %lt3A_23 = arith.cmpi slt, %arg1, %lt3A_22 : i32
    %convert_element_type3A_24 = arith.extui %lt3A_23 : i1 to i32
    %cond3A_25 = arith.constant 0 : i32
    %cond3A_26 = arith.cmpi ne, %convert_element_type3A_24, %cond3A_25 : i32
    scf.if %cond3A_26 {
      %add3A = arith.addi %multiple_of3A_3, %multiple_of3A_21 : i32
      %multiple_of3A_32 = tpu.assume_multiple %add3A, 8 : i32
      "tpu.region"() ({
        %run_scoped3A = tpu.sem_alloc : memref<!tpu.dma_semaphore, #tpu.memory_space<semaphore_mem>>
        %dma_start3A = arith.constant 0 : i32
        %dma_start3A_33 = tpu.memref_slice %arg7[%multiple_of3A_32, %dma_start3A] : memref<20000x128xf32, #tpu.memory_space<hbm>> -> memref<632x128xf32, #tpu.memory_space<hbm>>
        %dma_start3A_34 = arith.constant 0 : i32
        %dma_start3A_35 = tpu.memref_slice %arg13[%multiple_of3A_21, %dma_start3A_34] : memref<10000x128xf32, #tpu.memory_space<vmem_shared>> -> memref<632x128xf32, #tpu.memory_space<vmem_shared>>
        tpu.enqueue_dma source(%dma_start3A_35 : memref<632x128xf32, #tpu.memory_space<vmem_shared>>) target(%dma_start3A_33 : memref<632x128xf32, #tpu.memory_space<hbm>>) target_semaphore(%run_scoped3A : memref<!tpu.dma_semaphore, #tpu.memory_space<semaphore_mem>>)
        %dma_wait3A = arith.constant 0 : i32
        %dma_wait3A_36 = tpu.memref_slice %arg7[%multiple_of3A_32, %dma_wait3A] : memref<20000x128xf32, #tpu.memory_space<hbm>> -> memref<632x128xf32, #tpu.memory_space<hbm>>
        %dma_wait3A_37 = arith.constant 0 : i32
        %dma_wait3A_38 = tpu.memref_slice %arg13[%multiple_of3A_21, %dma_wait3A_37] : memref<10000x128xf32, #tpu.memory_space<vmem_shared>> -> memref<632x128xf32, #tpu.memory_space<vmem_shared>>
        tpu.wait_dma2 semaphore(%run_scoped3A : memref<!tpu.dma_semaphore, #tpu.memory_space<semaphore_mem>>) src(%dma_wait3A_38 : memref<632x128xf32, #tpu.memory_space<vmem_shared>>) dst(%dma_wait3A_36 : memref<632x128xf32, #tpu.memory_space<hbm>>)
        tpu.yield
      }) : () -> ()
    } else {
    }
    %eq3A_27 = arith.constant 15 : i32
    %eq3A_28 = arith.cmpi eq, %arg1, %eq3A_27 : i32
    %convert_element_type3A_29 = arith.extui %eq3A_28 : i1 to i32
    %cond3A_30 = arith.constant 0 : i32
    %cond3A_31 = arith.cmpi ne, %convert_element_type3A_29, %cond3A_30 : i32
    scf.if %cond3A_31 {
      %add3A = arith.constant 9480 : i32
      %add3A_32 = arith.addi %multiple_of3A_3, %add3A : i32
      %multiple_of3A_33 = tpu.assume_multiple %add3A_32, 8 : i32
      "tpu.region"() ({
        %run_scoped3A = tpu.sem_alloc : memref<!tpu.dma_semaphore, #tpu.memory_space<semaphore_mem>>
        %dma_start3A = arith.constant 0 : i32
        %dma_start3A_34 = tpu.memref_slice %arg7[%multiple_of3A_33, %dma_start3A] : memref<20000x128xf32, #tpu.memory_space<hbm>> -> memref<520x128xf32, #tpu.memory_space<hbm>>
        %dma_start3A_35 = arith.constant 9480 : i32
        %dma_start3A_36 = arith.constant 0 : i32
        %dma_start3A_37 = tpu.memref_slice %arg13[%dma_start3A_35, %dma_start3A_36] : memref<10000x128xf32, #tpu.memory_space<vmem_shared>> -> memref<520x128xf32, #tpu.memory_space<vmem_shared>>
        tpu.enqueue_dma source(%dma_start3A_37 : memref<520x128xf32, #tpu.memory_space<vmem_shared>>) target(%dma_start3A_34 : memref<520x128xf32, #tpu.memory_space<hbm>>) target_semaphore(%run_scoped3A : memref<!tpu.dma_semaphore, #tpu.memory_space<semaphore_mem>>)
        %dma_wait3A = arith.constant 0 : i32
        %dma_wait3A_38 = tpu.memref_slice %arg7[%multiple_of3A_33, %dma_wait3A] : memref<20000x128xf32, #tpu.memory_space<hbm>> -> memref<520x128xf32, #tpu.memory_space<hbm>>
        %dma_wait3A_39 = arith.constant 9480 : i32
        %dma_wait3A_40 = arith.constant 0 : i32
        %dma_wait3A_41 = tpu.memref_slice %arg13[%dma_wait3A_39, %dma_wait3A_40] : memref<10000x128xf32, #tpu.memory_space<vmem_shared>> -> memref<520x128xf32, #tpu.memory_space<vmem_shared>>
        tpu.wait_dma2 semaphore(%run_scoped3A : memref<!tpu.dma_semaphore, #tpu.memory_space<semaphore_mem>>) src(%dma_wait3A_41 : memref<520x128xf32, #tpu.memory_space<vmem_shared>>) dst(%dma_wait3A_38 : memref<520x128xf32, #tpu.memory_space<hbm>>)
        tpu.yield
      }) : () -> ()
    } else {
    }
    return
  }
}

module attributes {stable_mosaic.version = 14 : i64} {
  func.func @_edge_proj_body(%arg0: i32, %arg1: memref<4000x16xf32, #tpu.memory_space<vmem>>, %arg2: memref<128x16xf32, #tpu.memory_space<vmem>>, %arg3: memref<4000x128xf32, #tpu.memory_space<vmem>>) attributes {dimension_semantics = [#tpu.dimension_semantics<arbitrary>], iteration_bounds = array<i64: 80>, scalar_prefetch = 0 : i64, scratch_operands = 0 : i64, tpu.core_type = #tpu.core_type<tc>, window_params = [{transform_indices = @transform_0, window_bounds = array<i64: 4000, 16>}, {pipeline_mode = #tpu.pipeline_mode<synchronous>, transform_indices = @transform_1, window_bounds = array<i64: 128, 16>}, {transform_indices = @transform_2, window_bounds = array<i64: 4000, 128>}]} {
    %get3A = arith.constant 0 : index
    %get3A_0 = arith.constant 0 : index
    %get3A_1 = vector.load %arg1[%get3A, %get3A_0] : memref<4000x16xf32, #tpu.memory_space<vmem>>, vector<4000x16xf32>
    %get3A_2 = arith.constant 0 : index
    %get3A_3 = arith.constant 0 : index
    %get3A_4 = vector.load %arg2[%get3A_2, %get3A_3] : memref<128x16xf32, #tpu.memory_space<vmem>>, vector<128x16xf32>
    %dot_general3A = arith.constant dense<0.000000e+00> : vector<4000x128xf32>
    %dot_general3A_5 = tpu.matmul %get3A_1, %get3A_4, %dot_general3A {dimension_numbers = #tpu.dot_dimension_numbers<[1], [1], [0], [0], [0, 0, 1, 0], [], []>, transpose_lhs_hint = false} : vector<4000x16xf32>, vector<128x16xf32>, vector<4000x128xf32> -> vector<4000x128xf32>
    %swap3A = arith.constant 0 : index
    %swap3A_6 = arith.constant 0 : index
    %swap3A_7 = vector.load %arg3[%swap3A, %swap3A_6] : memref<4000x128xf32, #tpu.memory_space<vmem>>, vector<4000x128xf32>
    tpu.vector_store %arg3[%swap3A, %swap3A_6], %dot_general3A_5 {strides = array<i32>} : memref<4000x128xf32, #tpu.memory_space<vmem>>, vector<4000x128xf32>,
    return
  }
  func.func @transform_0(%arg0: i32) -> (i32, i32) {
    %c0_i32 = arith.constant 0 : i32
    %c0_i32_0 = arith.constant 0 : i32
    return %arg0, %c0_i32 : i32, i32
  }
  func.func @transform_1(%arg0: i32) -> (i32, i32) {
    %c0_i32 = arith.constant 0 : i32
    %c0_i32_0 = arith.constant 0 : i32
    %c0_i32_1 = arith.constant 0 : i32
    return %c0_i32, %c0_i32_0 : i32, i32
  }
  func.func @transform_2(%arg0: i32) -> (i32, i32) {
    %c0_i32 = arith.constant 0 : i32
    %c0_i32_0 = arith.constant 0 : i32
    return %arg0, %c0_i32 : i32, i32
  }
}

module attributes {stable_mosaic.version = 14 : i64} {
  func.func @_node_proj_body(%arg0: i32, %arg1: memref<2000x128xf32, #tpu.memory_space<vmem>>, %arg2: memref<128x128xf32, #tpu.memory_space<vmem>>, %arg3: memref<128x128xf32, #tpu.memory_space<vmem>>, %arg4: memref<128x128xf32, #tpu.memory_space<vmem>>, %arg5: memref<2000x128xf32, #tpu.memory_space<vmem>>, %arg6: memref<2x2000x128xf32, #tpu.memory_space<vmem>>) attributes {dimension_semantics = [#tpu.dimension_semantics<arbitrary>], iteration_bounds = array<i64: 5>, scalar_prefetch = 0 : i64, scratch_operands = 0 : i64, tpu.core_type = #tpu.core_type<tc>, window_params = [{transform_indices = @transform_0, window_bounds = array<i64: 2000, 128>}, {pipeline_mode = #tpu.pipeline_mode<synchronous>, transform_indices = @transform_1, window_bounds = array<i64: 128, 128>}, {pipeline_mode = #tpu.pipeline_mode<synchronous>, transform_indices = @transform_2, window_bounds = array<i64: 128, 128>}, {pipeline_mode = #tpu.pipeline_mode<synchronous>, transform_indices = @transform_3, window_bounds = array<i64: 128, 128>}, {transform_indices = @transform_4, window_bounds = array<i64: 2000, 128>}, {transform_indices = @transform_5, window_bounds = array<i64: 2, 2000, 128>}]} {
    %get3A = arith.constant 0 : index
    %get3A_0 = arith.constant 0 : index
    %get3A_1 = vector.load %arg1[%get3A, %get3A_0] : memref<2000x128xf32, #tpu.memory_space<vmem>>, vector<2000x128xf32>
    %get3A_2 = arith.constant 0 : index
    %get3A_3 = arith.constant 0 : index
    %get3A_4 = vector.load %arg2[%get3A_2, %get3A_3] : memref<128x128xf32, #tpu.memory_space<vmem>>, vector<128x128xf32>
    %dot_general3A = arith.constant dense<0.000000e+00> : vector<2000x128xf32>
    %dot_general3A_5 = tpu.matmul %get3A_1, %get3A_4, %dot_general3A {dimension_numbers = #tpu.dot_dimension_numbers<[1], [1], [0], [0], [0, 0, 1, 0], [], []>, transpose_lhs_hint = false} : vector<2000x128xf32>, vector<128x128xf32>, vector<2000x128xf32> -> vector<2000x128xf32>
    %swap3A = arith.constant 0 : index
    %swap3A_6 = arith.constant 0 : index
    %swap3A_7 = vector.load %arg5[%swap3A, %swap3A_6] : memref<2000x128xf32, #tpu.memory_space<vmem>>, vector<2000x128xf32>
    tpu.vector_store %arg5[%swap3A, %swap3A_6], %dot_general3A_5 {strides = array<i32>} : memref<2000x128xf32, #tpu.memory_space<vmem>>, vector<2000x128xf32>,
    %get3A_8 = arith.constant 0 : index
    %get3A_9 = arith.constant 0 : index
    %get3A_10 = vector.load %arg3[%get3A_8, %get3A_9] : memref<128x128xf32, #tpu.memory_space<vmem>>, vector<128x128xf32>
    %dot_general3A_11 = arith.constant dense<0.000000e+00> : vector<2000x128xf32>
    %dot_general3A_12 = tpu.matmul %get3A_1, %get3A_10, %dot_general3A_11 {dimension_numbers = #tpu.dot_dimension_numbers<[1], [1], [0], [0], [0, 0, 1, 0], [], []>, transpose_lhs_hint = false} : vector<2000x128xf32>, vector<128x128xf32>, vector<2000x128xf32> -> vector<2000x128xf32>
    %swap3A_13 = arith.constant 0 : index
    %swap3A_14 = arith.constant 0 : index
    %swap3A_15 = arith.constant 0 : index
    %swap3A_16 = vector.load %arg6[%swap3A_13, %swap3A_14, %swap3A_15] : memref<2x2000x128xf32, #tpu.memory_space<vmem>>, vector<1x2000x128xf32>
    %swap3A_17 = vector.shape_cast %swap3A_16 : vector<1x2000x128xf32> to vector<2000x128xf32>
    %swap3A_18 = vector.shape_cast %dot_general3A_12 : vector<2000x128xf32> to vector<1x2000x128xf32>
    tpu.vector_store %arg6[%swap3A_13, %swap3A_14, %swap3A_15], %swap3A_18 {strides = array<i32>} : memref<2x2000x128xf32, #tpu.memory_space<vmem>>, vector<1x2000x128xf32>,
    %get3A_19 = arith.constant 0 : index
    %get3A_20 = arith.constant 0 : index
    %get3A_21 = vector.load %arg4[%get3A_19, %get3A_20] : memref<128x128xf32, #tpu.memory_space<vmem>>, vector<128x128xf32>
    %dot_general3A_22 = arith.constant dense<0.000000e+00> : vector<2000x128xf32>
    %dot_general3A_23 = tpu.matmul %get3A_1, %get3A_21, %dot_general3A_22 {dimension_numbers = #tpu.dot_dimension_numbers<[1], [1], [0], [0], [0, 0, 1, 0], [], []>, transpose_lhs_hint = false} : vector<2000x128xf32>, vector<128x128xf32>, vector<2000x128xf32> -> vector<2000x128xf32>
    %swap3A_24 = arith.constant 1 : index
    %swap3A_25 = arith.constant 0 : index
    %swap3A_26 = arith.constant 0 : index
    %swap3A_27 = vector.load %arg6[%swap3A_24, %swap3A_25, %swap3A_26] : memref<2x2000x128xf32, #tpu.memory_space<vmem>>, vector<1x2000x128xf32>
    %swap3A_28 = vector.shape_cast %swap3A_27 : vector<1x2000x128xf32> to vector<2000x128xf32>
    %swap3A_29 = vector.shape_cast %dot_general3A_23 : vector<2000x128xf32> to vector<1x2000x128xf32>
    tpu.vector_store %arg6[%swap3A_24, %swap3A_25, %swap3A_26], %swap3A_29 {strides = array<i32>} : memref<2x2000x128xf32, #tpu.memory_space<vmem>>, vector<1x2000x128xf32>,
    return
  }
  func.func @transform_0(%arg0: i32) -> (i32, i32) {
    %c0_i32 = arith.constant 0 : i32
    %c0_i32_0 = arith.constant 0 : i32
    return %arg0, %c0_i32 : i32, i32
  }
  func.func @transform_1(%arg0: i32) -> (i32, i32) {
    %c0_i32 = arith.constant 0 : i32
    %c0_i32_0 = arith.constant 0 : i32
    %c0_i32_1 = arith.constant 0 : i32
    return %c0_i32, %c0_i32_0 : i32, i32
  }
  func.func @transform_2(%arg0: i32) -> (i32, i32) {
    %c0_i32 = arith.constant 0 : i32
    %c0_i32_0 = arith.constant 0 : i32
    %c0_i32_1 = arith.constant 0 : i32
    return %c0_i32, %c0_i32_0 : i32, i32
  }
  func.func @transform_3(%arg0: i32) -> (i32, i32) {
    %c0_i32 = arith.constant 0 : i32
    %c0_i32_0 = arith.constant 0 : i32
    %c0_i32_1 = arith.constant 0 : i32
    return %c0_i32, %c0_i32_0 : i32, i32
  }
  func.func @transform_4(%arg0: i32) -> (i32, i32) {
    %c0_i32 = arith.constant 0 : i32
    %c0_i32_0 = arith.constant 0 : i32
    return %arg0, %c0_i32 : i32, i32
  }
  func.func @transform_5(%arg0: i32) -> (i32, i32, i32) {
    %c0_i32 = arith.constant 0 : i32
    %c0_i32_0 = arith.constant 0 : i32
    %c0_i32_1 = arith.constant 0 : i32
    return %c0_i32, %arg0, %c0_i32_0 : i32, i32, i32
  }
}

module attributes {stable_mosaic.version = 14 : i64} {
  func.func @_mid_body(%arg0: i32, %arg1: memref<2x2000x128xf32, #tpu.memory_space<vmem>>, %arg2: memref<2x2000x128xf32, #tpu.memory_space<vmem>>, %arg3: memref<2000x128xf32, #tpu.memory_space<vmem>>, %arg4: memref<2x2000x128xf32, #tpu.memory_space<vmem>>) attributes {dimension_semantics = [#tpu.dimension_semantics<arbitrary>], iteration_bounds = array<i64: 5>, scalar_prefetch = 0 : i64, scratch_operands = 0 : i64, tpu.core_type = #tpu.core_type<tc>, window_params = [{transform_indices = @transform_0, window_bounds = array<i64: 2, 2000, 128>}, {transform_indices = @transform_1, window_bounds = array<i64: 2, 2000, 128>}, {transform_indices = @transform_2, window_bounds = array<i64: 2000, 128>}, {transform_indices = @transform_3, window_bounds = array<i64: 2, 2000, 128>}]} {
    %get3A = arith.constant 0 : index
    %get3A_0 = arith.constant 0 : index
    %get3A_1 = arith.constant 0 : index
    %get3A_2 = vector.load %arg1[%get3A, %get3A_0, %get3A_1] : memref<2x2000x128xf32, #tpu.memory_space<vmem>>, vector<1x2000x128xf32>
    %get3A_3 = vector.shape_cast %get3A_2 : vector<1x2000x128xf32> to vector<2000x128xf32>
    %get3A_4 = arith.constant 1 : index
    %get3A_5 = arith.constant 0 : index
    %get3A_6 = arith.constant 0 : index
    %get3A_7 = vector.load %arg1[%get3A_4, %get3A_5, %get3A_6] : memref<2x2000x128xf32, #tpu.memory_space<vmem>>, vector<1x2000x128xf32>
    %get3A_8 = vector.shape_cast %get3A_7 : vector<1x2000x128xf32> to vector<2000x128xf32>
    %add3A = arith.addf %get3A_3, %get3A_8 : vector<2000x128xf32>
    %rsqrt3A = math.rsqrt %add3A : vector<2000x128xf32>
    %swap3A = arith.constant 0 : index
    %swap3A_9 = arith.constant 0 : index
    %swap3A_10 = arith.constant 0 : index
    %swap3A_11 = vector.load %arg4[%swap3A, %swap3A_9, %swap3A_10] : memref<2x2000x128xf32, #tpu.memory_space<vmem>>, vector<1x2000x128xf32>
    %swap3A_12 = vector.shape_cast %swap3A_11 : vector<1x2000x128xf32> to vector<2000x128xf32>
    %swap3A_13 = vector.shape_cast %rsqrt3A : vector<2000x128xf32> to vector<1x2000x128xf32>
    tpu.vector_store %arg4[%swap3A, %swap3A_9, %swap3A_10], %swap3A_13 {strides = array<i32>} : memref<2x2000x128xf32, #tpu.memory_space<vmem>>, vector<1x2000x128xf32>,
    %get3A_14 = arith.constant 0 : index
    %get3A_15 = arith.constant 0 : index
    %get3A_16 = vector.load %arg3[%get3A_14, %get3A_15] : memref<2000x128xf32, #tpu.memory_space<vmem>>, vector<2000x128xf32>
    %get3A_17 = arith.constant 0 : index
    %get3A_18 = arith.constant 0 : index
    %get3A_19 = arith.constant 0 : index
    %get3A_20 = vector.load %arg2[%get3A_17, %get3A_18, %get3A_19] : memref<2x2000x128xf32, #tpu.memory_space<vmem>>, vector<1x2000x128xf32>
    %get3A_21 = vector.shape_cast %get3A_20 : vector<1x2000x128xf32> to vector<2000x128xf32>
    %get3A_22 = arith.constant 1 : index
    %get3A_23 = arith.constant 0 : index
    %get3A_24 = arith.constant 0 : index
    %get3A_25 = vector.load %arg2[%get3A_22, %get3A_23, %get3A_24] : memref<2x2000x128xf32, #tpu.memory_space<vmem>>, vector<1x2000x128xf32>
    %get3A_26 = vector.shape_cast %get3A_25 : vector<1x2000x128xf32> to vector<2000x128xf32>
    %add3A_27 = arith.addf %get3A_21, %get3A_26 : vector<2000x128xf32>
    %rsqrt3A_28 = math.rsqrt %add3A_27 : vector<2000x128xf32>
    %mul3A = arith.mulf %get3A_16, %rsqrt3A_28 : vector<2000x128xf32>
    %swap3A_29 = arith.constant 1 : index
    %swap3A_30 = arith.constant 0 : index
    %swap3A_31 = arith.constant 0 : index
    %swap3A_32 = vector.load %arg4[%swap3A_29, %swap3A_30, %swap3A_31] : memref<2x2000x128xf32, #tpu.memory_space<vmem>>, vector<1x2000x128xf32>
    %swap3A_33 = vector.shape_cast %swap3A_32 : vector<1x2000x128xf32> to vector<2000x128xf32>
    %swap3A_34 = vector.shape_cast %mul3A : vector<2000x128xf32> to vector<1x2000x128xf32>
    tpu.vector_store %arg4[%swap3A_29, %swap3A_30, %swap3A_31], %swap3A_34 {strides = array<i32>} : memref<2x2000x128xf32, #tpu.memory_space<vmem>>, vector<1x2000x128xf32>,
    return
  }
  func.func @transform_0(%arg0: i32) -> (i32, i32, i32) {
    %c0_i32 = arith.constant 0 : i32
    %c0_i32_0 = arith.constant 0 : i32
    %c0_i32_1 = arith.constant 0 : i32
    return %c0_i32, %arg0, %c0_i32_0 : i32, i32, i32
  }
  func.func @transform_1(%arg0: i32) -> (i32, i32, i32) {
    %c0_i32 = arith.constant 0 : i32
    %c0_i32_0 = arith.constant 0 : i32
    %c0_i32_1 = arith.constant 0 : i32
    return %c0_i32, %arg0, %c0_i32_0 : i32, i32, i32
  }
  func.func @transform_2(%arg0: i32) -> (i32, i32) {
    %c0_i32 = arith.constant 0 : i32
    %c0_i32_0 = arith.constant 0 : i32
    return %arg0, %c0_i32 : i32, i32
  }
  func.func @transform_3(%arg0: i32) -> (i32, i32, i32) {
    %c0_i32 = arith.constant 0 : i32
    %c0_i32_0 = arith.constant 0 : i32
    %c0_i32_1 = arith.constant 0 : i32
    return %c0_i32, %arg0, %c0_i32_0 : i32, i32, i32
  }
}

module attributes {stable_mosaic.version = 14 : i64} {
  func.func @_post_body(%arg0: i32, %arg1: memref<2x2000x128xf32, #tpu.memory_space<vmem>>, %arg2: memref<2000x128xf32, #tpu.memory_space<vmem>>, %arg3: memref<128x128xf32, #tpu.memory_space<vmem>>, %arg4: memref<1x128xf32, #tpu.memory_space<vmem>>, %arg5: memref<128x128xf32, #tpu.memory_space<vmem>>, %arg6: memref<1x128xf32, #tpu.memory_space<vmem>>, %arg7: memref<1x128xf32, #tpu.memory_space<vmem>>, %arg8: memref<1x128xf32, #tpu.memory_space<vmem>>, %arg9: memref<2000x128xf32, #tpu.memory_space<vmem>>) attributes {dimension_semantics = [#tpu.dimension_semantics<arbitrary>], iteration_bounds = array<i64: 5>, scalar_prefetch = 0 : i64, scratch_operands = 0 : i64, tpu.core_type = #tpu.core_type<tc>, window_params = [{transform_indices = @transform_0, window_bounds = array<i64: 2, 2000, 128>}, {transform_indices = @transform_1, window_bounds = array<i64: 2000, 128>}, {pipeline_mode = #tpu.pipeline_mode<synchronous>, transform_indices = @transform_2, window_bounds = array<i64: 128, 128>}, {pipeline_mode = #tpu.pipeline_mode<synchronous>, transform_indices = @transform_3, window_bounds = array<i64: 1, 128>}, {pipeline_mode = #tpu.pipeline_mode<synchronous>, transform_indices = @transform_4, window_bounds = array<i64: 128, 128>}, {pipeline_mode = #tpu.pipeline_mode<synchronous>, transform_indices = @transform_5, window_bounds = array<i64: 1, 128>}, {pipeline_mode = #tpu.pipeline_mode<synchronous>, transform_indices = @transform_6, window_bounds = array<i64: 1, 128>}, {pipeline_mode = #tpu.pipeline_mode<synchronous>, transform_indices = @transform_7, window_bounds = array<i64: 1, 128>}, {transform_indices = @transform_8, window_bounds = array<i64: 2000, 128>}]} {
    %get3A = arith.constant 0 : index
    %get3A_0 = arith.constant 0 : index
    %get3A_1 = arith.constant 0 : index
    %get3A_2 = vector.load %arg1[%get3A, %get3A_0, %get3A_1] : memref<2x2000x128xf32, #tpu.memory_space<vmem>>, vector<1x2000x128xf32>
    %get3A_3 = vector.shape_cast %get3A_2 : vector<1x2000x128xf32> to vector<2000x128xf32>
    %get3A_4 = arith.constant 1 : index
    %get3A_5 = arith.constant 0 : index
    %get3A_6 = arith.constant 0 : index
    %get3A_7 = vector.load %arg1[%get3A_4, %get3A_5, %get3A_6] : memref<2x2000x128xf32, #tpu.memory_space<vmem>>, vector<1x2000x128xf32>
    %get3A_8 = vector.shape_cast %get3A_7 : vector<1x2000x128xf32> to vector<2000x128xf32>
    %add3A = arith.addf %get3A_3, %get3A_8 : vector<2000x128xf32>
    %reduce_sum3A = arith.constant dense<0.000000e+00> : vector<2000xf32>
    %reduce_sum3A_9 = vector.multi_reduction <add>, %add3A, %reduce_sum3A [1] : vector<2000x128xf32> to vector<2000xf32>
    %broadcast_in_dim3A = vector.shape_cast %reduce_sum3A_9 : vector<2000xf32> to vector<2000x1xf32>
    %div3A = arith.constant 1.280000e+02 : f32
    %div3A_10 = vector.broadcast %div3A : f32 to vector<2000x1xf32>
    %div3A_11 = arith.divf %broadcast_in_dim3A, %div3A_10 : vector<2000x1xf32>
    %sub3A = vector.broadcast %div3A_11 : vector<2000x1xf32> to vector<2000x128xf32>
    %sub3A_12 = arith.subf %add3A, %sub3A : vector<2000x128xf32>
    %mul3A = arith.mulf %sub3A_12, %sub3A_12 : vector<2000x128xf32>
    %reduce_sum3A_13 = arith.constant dense<0.000000e+00> : vector<2000xf32>
    %reduce_sum3A_14 = vector.multi_reduction <add>, %mul3A, %reduce_sum3A_13 [1] : vector<2000x128xf32> to vector<2000xf32>
    %broadcast_in_dim3A_15 = vector.shape_cast %reduce_sum3A_14 : vector<2000xf32> to vector<2000x1xf32>
    %div3A_16 = arith.constant 1.280000e+02 : f32
    %div3A_17 = vector.broadcast %div3A_16 : f32 to vector<2000x1xf32>
    %div3A_18 = arith.divf %broadcast_in_dim3A_15, %div3A_17 : vector<2000x1xf32>
    %add3A_19 = arith.constant 9.99999971E-10 : f32
    %add3A_20 = vector.broadcast %add3A_19 : f32 to vector<2000x1xf32>
    %add3A_21 = arith.addf %div3A_18, %add3A_20 : vector<2000x1xf32>
    %get3A_22 = arith.constant 0 : index
    %get3A_23 = arith.constant 0 : index
    %get3A_24 = vector.load %arg7[%get3A_22, %get3A_23] : memref<1x128xf32, #tpu.memory_space<vmem>>, vector<1x128xf32>
    %mul3A_25 = vector.broadcast %get3A_24 : vector<1x128xf32> to vector<2000x128xf32>
    %mul3A_26 = arith.mulf %sub3A_12, %mul3A_25 : vector<2000x128xf32>
    %rsqrt3A = math.rsqrt %add3A_21 : vector<2000x1xf32>
    %mul3A_27 = vector.broadcast %rsqrt3A : vector<2000x1xf32> to vector<2000x128xf32>
    %mul3A_28 = arith.mulf %mul3A_26, %mul3A_27 : vector<2000x128xf32>
    %get3A_29 = arith.constant 0 : index
    %get3A_30 = arith.constant 0 : index
    %get3A_31 = vector.load %arg8[%get3A_29, %get3A_30] : memref<1x128xf32, #tpu.memory_space<vmem>>, vector<1x128xf32>
    %add3A_32 = vector.broadcast %get3A_31 : vector<1x128xf32> to vector<2000x128xf32>
    %add3A_33 = arith.addf %mul3A_28, %add3A_32 : vector<2000x128xf32>
    %get3A_34 = arith.constant 0 : index
    %get3A_35 = arith.constant 0 : index
    %get3A_36 = vector.load %arg3[%get3A_34, %get3A_35] : memref<128x128xf32, #tpu.memory_space<vmem>>, vector<128x128xf32>
    %dot_general3A = arith.constant dense<0.000000e+00> : vector<2000x128xf32>
    %dot_general3A_37 = tpu.matmul %add3A_33, %get3A_36, %dot_general3A {dimension_numbers = #tpu.dot_dimension_numbers<[1], [1], [0], [0], [0, 0, 1, 0], [], []>, transpose_lhs_hint = false} : vector<2000x128xf32>, vector<128x128xf32>, vector<2000x128xf32> -> vector<2000x128xf32>
    %get3A_38 = arith.constant 0 : index
    %get3A_39 = arith.constant 0 : index
    %get3A_40 = vector.load %arg4[%get3A_38, %get3A_39] : memref<1x128xf32, #tpu.memory_space<vmem>>, vector<1x128xf32>
    %add3A_41 = vector.broadcast %get3A_40 : vector<1x128xf32> to vector<2000x128xf32>
    %add3A_42 = arith.addf %dot_general3A_37, %add3A_41 : vector<2000x128xf32>
    %get3A_43 = arith.constant 0 : index
    %get3A_44 = arith.constant 0 : index
    %get3A_45 = vector.load %arg2[%get3A_43, %get3A_44] : memref<2000x128xf32, #tpu.memory_space<vmem>>, vector<2000x128xf32>
    %get3A_46 = arith.constant 0 : index
    %get3A_47 = arith.constant 0 : index
    %get3A_48 = vector.load %arg5[%get3A_46, %get3A_47] : memref<128x128xf32, #tpu.memory_space<vmem>>, vector<128x128xf32>
    %dot_general3A_49 = arith.constant dense<0.000000e+00> : vector<2000x128xf32>
    %dot_general3A_50 = tpu.matmul %get3A_45, %get3A_48, %dot_general3A_49 {dimension_numbers = #tpu.dot_dimension_numbers<[1], [1], [0], [0], [0, 0, 1, 0], [], []>, transpose_lhs_hint = false} : vector<2000x128xf32>, vector<128x128xf32>, vector<2000x128xf32> -> vector<2000x128xf32>
    %add3A_51 = arith.addf %add3A_42, %dot_general3A_50 : vector<2000x128xf32>
    %get3A_52 = arith.constant 0 : index
    %get3A_53 = arith.constant 0 : index
    %get3A_54 = vector.load %arg6[%get3A_52, %get3A_53] : memref<1x128xf32, #tpu.memory_space<vmem>>, vector<1x128xf32>
    %add3A_55 = vector.broadcast %get3A_54 : vector<1x128xf32> to vector<2000x128xf32>
    %add3A_56 = arith.addf %add3A_51, %add3A_55 : vector<2000x128xf32>
    %swap3A = arith.constant 0 : index
    %swap3A_57 = arith.constant 0 : index
    %swap3A_58 = vector.load %arg9[%swap3A, %swap3A_57] : memref<2000x128xf32, #tpu.memory_space<vmem>>, vector<2000x128xf32>
    tpu.vector_store %arg9[%swap3A, %swap3A_57], %add3A_56 {strides = array<i32>} : memref<2000x128xf32, #tpu.memory_space<vmem>>, vector<2000x128xf32>,
    return
  }
  func.func @transform_0(%arg0: i32) -> (i32, i32, i32) {
    %c0_i32 = arith.constant 0 : i32
    %c0_i32_0 = arith.constant 0 : i32
    %c0_i32_1 = arith.constant 0 : i32
    return %c0_i32, %arg0, %c0_i32_0 : i32, i32, i32
  }
  func.func @transform_1(%arg0: i32) -> (i32, i32) {
    %c0_i32 = arith.constant 0 : i32
    %c0_i32_0 = arith.constant 0 : i32
    return %arg0, %c0_i32 : i32, i32
  }
  func.func @transform_2(%arg0: i32) -> (i32, i32) {
    %c0_i32 = arith.constant 0 : i32
    %c0_i32_0 = arith.constant 0 : i32
    %c0_i32_1 = arith.constant 0 : i32
    return %c0_i32, %c0_i32_0 : i32, i32
  }
  func.func @transform_3(%arg0: i32) -> (i32, i32) {
    %c0_i32 = arith.constant 0 : i32
    %c0_i32_0 = arith.constant 0 : i32
    %c0_i32_1 = arith.constant 0 : i32
    return %c0_i32, %c0_i32_0 : i32, i32
  }
  func.func @transform_4(%arg0: i32) -> (i32, i32) {
    %c0_i32 = arith.constant 0 : i32
    %c0_i32_0 = arith.constant 0 : i32
    %c0_i32_1 = arith.constant 0 : i32
    return %c0_i32, %c0_i32_0 : i32, i32
  }
  func.func @transform_5(%arg0: i32) -> (i32, i32) {
    %c0_i32 = arith.constant 0 : i32
    %c0_i32_0 = arith.constant 0 : i32
    %c0_i32_1 = arith.constant 0 : i32
    return %c0_i32, %c0_i32_0 : i32, i32
  }
  func.func @transform_6(%arg0: i32) -> (i32, i32) {
    %c0_i32 = arith.constant 0 : i32
    %c0_i32_0 = arith.constant 0 : i32
    %c0_i32_1 = arith.constant 0 : i32
    return %c0_i32, %c0_i32_0 : i32, i32
  }
  func.func @transform_7(%arg0: i32) -> (i32, i32) {
    %c0_i32 = arith.constant 0 : i32
    %c0_i32_0 = arith.constant 0 : i32
    %c0_i32_1 = arith.constant 0 : i32
    return %c0_i32, %c0_i32_0 : i32, i32
  }
  func.func @transform_8(%arg0: i32) -> (i32, i32) {
    %c0_i32 = arith.constant 0 : i32
    %c0_i32_0 = arith.constant 0 : i32
    return %arg0, %c0_i32 : i32, i32
  }
}

</mosaic_0001>

<sc_bundles>
// kernel: kernel.12.cloned.1.call-start
scs
__scs_entry_jumppad:
0x0: {  	(pc) =	sbr.rel $0x88, $3  }
0x1: {  	(tag) =	ssettag $0x0;
	lr =	simm.s32 $0x1  }
0x2: {  	[smem:$0x3F94] =	sst lr;
	_ =	strace $0xD0000000  }
0x3: {  	_ = 	snop  }
0x4: {  	_ = 	snop  }
0x5: {  	_ = 	snop  }
0x6: {  	_ = 	snop  }
0x7: {  	_ = 	snop  }
__scs_overlays_trampoline_lowered:
0x8: {  	[smem:$0x3FA3] =	sst s0  }
0x9: {  	[smem:$0x3FA4] =	sst s1  }
0xa: {  	[smem:$0x3FA5] =	sst s2  }
0xb: {  	[smem:$0x3FA6] =	sst s3  }
0xc: {  	[smem:$0x3FA7] =	sst s4  }
0xd: {  	[smem:$0x3FA8] =	sst s5  }
0xe: {  	[smem:$0x3FA9] =	sst s6  }
0xf: {  	[smem:$0x3FAA] =	sst s7  }
0x10: {  	[smem:$0x3FAB] =	sst s8  }
0x11: {  	[smem:$0x3FAC] =	sst s9;
	s0 =	simm.s32 @!p0 $0x0  }
0x12: {  	s1 =	sld [smem:$0x3F92];
	s0 =	simm.s32 @p0 $0x1  }
0x13: {  	[smem:$0x3FAD] =	sst s0;
	s0 =	simm.s32 @!p1 $0x0  }
0x14: {  	s2 =	sld [smem:$0x3F91];
	s0 =	simm.s32 @p1 $0x1  }
0x15: {  	[smem:$0x3FAE] =	sst s0;
	s0 =	simm.s32 @!p2 $0x0  }
0x16: {  	s3 =	sld [smem:$0x3FDB];
	s0 =	simm.s32 @p2 $0x1  }
0x17: {  	s4 =	simm.s32 $0x1BF5;
	[smem:$0x3FB0] =	sst s0  }
0x18: {  	s0 =	sld [smem:$0x3F93];
	_ =	swait.ge [sflag:s4], $0x0  }
0x19: {  	s7 =	sld [smem:$0x3F94]  }
0x1a: {  	s8 =	sadd.s32 $0xFFFFE003, lr  }
0x1b: {  	s9 =	sadd.s32 $0xFFFFFEF7, lr;
	s5 =	simm.s32 $0xFFFFFFFF;
	p2 =	slt.u32 s8, $0xFFFFF086  }
0x1c: {  	p1 =	slt.u32 s9, $0xF7A;
	s5 =	simm.s32 @!p2 $0x0  }
0x1d: {  	s5 =	simm.s32 @p1 $0x1;
	p0 =	seq.s32 s7, s2  }
0x1e: {  	s7 =	smul.u32 @!p0 $0xF7A, s2;
	p2 =	seq.s32 @!p0 s5, $0x0  }
0x1f: {  	s9 =	smul.u32 $0xF7A, s1;
	s8 =	simm.s32 @!p0 $0x1BF5;
	p2 =	por !p2, p0  }
0x20: {  	[sflag:s8] =	ssyncset.s32 @!p0 $0xFFFFF086;
	s6 =	sadd.s32 @!p0 s3, s7;
	s7 =	simm.s32 @!p0 $0x108  }
0x21: {  	s3 =	sadd.s32 s3, s9;
	s6 =	sadd.s32 @!p0 $0x88, s6;
	s7 =	simm.s32 @p2 $0x1082  }
0x22: {  	[simem:s7], [sflag:s8] =	dma.local @!p0 [hbm:s6], $0xF7A  }
0x23: {  	s9 =	sor.u32 $0xD0000000, s2;
	s6 =	simm.s32 $0x108;
	_ =	swait.ge @!p0 [sflag:s8], $0x0  }
0x24: {  	s3 =	sadd.s32 $0x88, s3;
	s6 =	simm.s32 @!p1 $0x1082;
	[sflag:s4] =	ssyncset.s32 $0xFFFFF086  }
0x25: {  	[simem:s6], [sflag:s4] =	dma.local [hbm:s3], $0xF7A  }
0x26: {  	[smem:$0x3F94] =	sst s1;
	(tag) =	ssettag s2;
	_ =	strace s9  }
0x27: {  	s1 =	sld [smem:$0x3FA4]  }
0x28: {  	s2 =	sld [smem:$0x3FA5]  }
0x29: {  	s4 =	sld [smem:$0x3FA7]  }
0x2a: {  	p0 =	seq.s32 s5, $0x0;
	s5 =	sld [smem:$0x3FA8]  }
0x2b: {  	s6 =	sld [smem:$0x3FA9]  }
0x2c: {  	s7 =	sld [smem:$0x3FAA]  }
0x2d: {  	s3 =	simm.s32 $0x108;
	s8 =	sld [smem:$0x3FAB]  }
0x2e: {  	s3 =	simm.s32 @!p0 $0x1082;
	s9 =	sld [smem:$0x3FAC]  }
0x2f: {  	lr =	sadd.s32 s0, s3;
	s0 =	sld [smem:$0x3FA3]  }
0x30: {  	s3 =	sld [smem:$0x3FA6]  }
0x31: {  	[smem:$0x3FAF] =	sst s10  }
0x32: {  	s10 =	sld [smem:$0x3FAD];
	_ =	sdelay $0x3  }
0x33: {  	p0 =	seq.s32 s10, $0x1;
	s10 =	sld [smem:$0x3FAF];
	_ =	sdelay $0x3  }
0x34: {  	[smem:$0x3FAF] =	sst s10  }
0x35: {  	s10 =	sld [smem:$0x3FAE];
	_ =	sdelay $0x3  }
0x36: {  	p1 =	seq.s32 s10, $0x1;
	s10 =	sld [smem:$0x3FAF];
	_ =	sdelay $0x3  }
0x37: {  	[smem:$0x3FAF] =	sst s10  }
0x38: {  	s10 =	sld [smem:$0x3FB0]  }
0x39: {  	_ = 	snop;
	(pc) =	sbr.ind lr, $3  }
0x3a: {  	_ = 	snop  }
0x3b: {  	_ = 	snop  }
0x3c: {  	p2 =	seq.s32 s10, $0x1;
	s10 =	sld [smem:$0x3FAF]  }
0x3d: {  	_ =	shalt  }
0x3e: {  	_ =	shalt  }
0x3f: {  	_ =	shalt  }
0x40: {  	_ =	shalt  }
0x41: {  	_ =	shalt  }
0x42: {  	_ =	shalt  }
0x43: {  	_ =	shalt  }
0x44: {  	_ =	shalt  }
0x45: {  	_ =	shalt  }
0x46: {  	_ =	shalt  }
0x47: {  	_ =	shalt  }
0x48: {  	_ =	shalt  }
0x49: {  	_ =	shalt  }
0x4a: {  	_ =	shalt  }
0x4b: {  	_ =	shalt  }
0x4c: {  	_ =	shalt  }
0x4d: {  	_ =	shalt  }
0x4e: {  	_ =	shalt  }
0x4f: {  	_ =	shalt  }
0x50: {  	_ =	shalt  }
0x51: {  	_ =	shalt  }
0x52: {  	_ =	shalt  }
0x53: {  	_ =	shalt  }
0x54: {  	_ =	shalt  }
0x55: {  	_ =	shalt  }
0x56: {  	_ =	shalt  }
0x57: {  	_ =	shalt  }
0x58: {  	_ =	shalt  }
0x59: {  	_ =	shalt  }
0x5a: {  	_ =	shalt  }
0x5b: {  	_ =	shalt  }
0x5c: {  	_ =	shalt  }
0x5d: {  	_ =	shalt  }
0x5e: {  	_ =	shalt  }
0x5f: {  	_ =	shalt  }
0x60: {  	_ =	shalt  }
0x61: {  	_ =	shalt  }
0x62: {  	_ =	shalt  }
0x63: {  	_ =	shalt  }
0x64: {  	_ =	shalt  }
0x65: {  	_ =	shalt  }
0x66: {  	_ =	shalt  }
0x67: {  	_ =	shalt  }
0x68: {  	_ =	shalt  }
0x69: {  	_ =	shalt  }
0x6a: {  	_ =	shalt  }
0x6b: {  	_ =	shalt  }
0x6c: {  	_ =	shalt  }
0x6d: {  	_ =	shalt  }
0x6e: {  	_ =	shalt  }
0x6f: {  	_ =	shalt  }
0x70: {  	_ =	shalt  }
0x71: {  	_ =	shalt  }
0x72: {  	_ =	shalt  }
0x73: {  	_ =	shalt  }
0x74: {  	_ =	shalt  }
0x75: {  	_ =	shalt  }
0x76: {  	_ =	shalt  }
0x77: {  	_ =	shalt  }
0x78: {  	_ =	shalt  }
0x79: {  	_ =	shalt  }
0x7a: {  	_ =	shalt  }
0x7b: {  	_ =	shalt  }
0x7c: {  	_ =	shalt  }
0x7d: {  	_ =	shalt  }
0x7e: {  	_ =	shalt  }
0x7f: {  	_ =	shalt  }
0x80: {  	_ =	shalt  }
0x81: {  	_ =	shalt  }
0x82: {  	_ =	shalt  }
0x83: {  	_ =	shalt  }
0x84: {  	_ =	shalt  }
0x85: {  	_ =	shalt  }
0x86: {  	_ =	shalt  }
0x87: {  	_ =	shalt  }
.Lfunc_end0:
.L_simem_size_0:
called_computation.1_lowered:
.L_overlay_start_0:
0x88: {  	s2 =	sld [smem:$0x3FD9]  }
0x89: {  	s3 =	sld [smem:$0x3FFE];
	_ =	sdelay $0x1  }
0x8a: {  	s1 =	srdreg.scid  }
0x8b: {  	s0 =	sand.u32 $0x1, s1  }
0x8c: {  	s16 =	sshll.u32 s0, $0xA;
	s2 =	sadd.s32 s3, s2  }
0x8d: {  	s2 =	sadd.s32 s2, s16  }
0x8e: {  	[smem:$0x3FBB] =	sst s2  }
0x8f: {  	_ = 	snop  }
0x90: {  	(tm) =	ssettm $0x1  }
0x91: {  	s17 =	sld [smem:$0x3FFB];
	_ =	sdelay $0x3  }
0x92: {  	_ =	strace s17  }
0x93: {  	s2 =	sld [smem:$0x3FFC];
	_ =	sdelay $0x3  }
0x94: {  	_ =	strace s2  }
0x95: {  	s2 =	sld [smem:$0x3FFD];
	_ =	sdelay $0x3  }
0x96: {  	_ =	strace s2  }
0x97: {  	_ =	strace $0x8FFFFFFF  }
0x98: {  	s18 =	sld [smem:$0x3FDB];
	_ =	sdelay $0x1  }
0x99: {  	s19 =	simm.s32 $_scs_section_size  }
0x9a: {  	s4 =	simm.s32 $_size__tile_overlayer_lowered;
	s5 =	simm.s32 $_tile_overlayer_lowered  }
0x9b: {  	s22 =	simm.s32 $0x1BFF;
	s21 =	sshll.u32 s5, $0x1;
	s2 =	sadd.s32 s19, s18  }
0x9c: {  	s6 =	simm.s32 $0x0;
	s20 =	sshll.u32 s4, $0x1;
	s4 =	sadd.s32 s21, s2  }
0x9d: {  	[timem:s6], [sflag:s22] =	dma.local [hbm:s4], s20  }
0x9e: {  	_ =	swait.ge [sflag:s22], s20  }
0x9f: {  	s3 =	ssub.s32 $0x0, s20;
	[sflag:s22] =	ssyncset.done $0x0  }
0xa0: {  	[sflag:s22] =	ssyncadd.s32 s3;
	_ =	sdelay $0x1  }
0xa1: {  	s23 =	simm.s32 $0x1B8B  }
0xa2: {  	_ =	swait.ge [sflag:s23], $0x1  }
0xa3: {  	[sflag:s23] =	ssyncset.done $0x0  }
0xa4: {  	s25 =	simm.s32 $0x1B8E;
	s24 =	sld [smem:$0x3FFE];
	[sflag:s23] =	ssyncadd.s32 $0xFFFFFFFF  }
0xa5: {  	s26 =	simm.s32 $execute0_lowered;
	[smem:$0x3FD2] =	sst s25  }
0xa6: {  	s4 =	sshll.u32 s26, $0x1;
	_ =	strace $0x80000049;
	[dreg:$0x1] =	wrdreg $0xFFFFFFFF  }
0xa7: {  	s28 =	simm.s32 $_size_execute0_lowered;
	s2 =	sadd.s32 s2, s4;
	[dreg:$0x0] =	wrdreg $0x0  }
0xa8: {  	s4 =	sshll.u32 s28, $0x1;
	[dreg:$0x2] =	wrdreg s2  }
0xa9: {  	[dreg:$0x3] =	wrdreg s4  }
0xaa: {  	[dreg:$0x4] =	wrdreg $0xC0  }
0xab: {  	_ =	task [dreg:s6], $0x5FFFF  }
0xac: {  	[dreg:$0x1] =	wrdreg $0xFFFFFFFF  }
0xad: {  	[dreg:$0x0] =	wrdreg $0x60  }
0xae: {  	[dreg:$0x2] =	wrdreg s24  }
0xaf: {  	[dreg:$0x3] =	wrdreg $0x20800  }
0xb0: {  	[dreg:$0x4] =	wrdreg $0x9  }
0xb1: {  	_ =	task.clear_ibuf [dreg:s6], $0x5FFFF;
	_ =	strace $0x90000049  }
0xb2: {  	s29 =	simm.s32 $0x9;
	_ =	strace $0x8000004B  }
0xb3: {  	_ =	swait.ge [sflag:s29], $0x1  }
0xb4: {  	[sflag:s29] =	ssyncadd.s32 $0xFFFFFFFF  }
0xb5: {  	_ =	strace $0x9000004B  }
0xb6: {  	_ =	sfence  }
0xb7: {  	s30 =	sld [smem:$0x0];
	_ =	sdelay $0x2  }
0xb8: {  	s31 =	sshll.u32 s1, $0xD;
	s1 =	sshrl.u32 s1, $0x2  }
0xb9: {  	s3 =	sand.u32 $0x4000, s31;
	s1 =	sadd.s32 s1, s30  }
0xba: {  	s0 =	sor.u32 s3, s0;
	s1 =	sshll.u32 s1, $0x11  }
0xbb: {  	s0 =	sor.u32 s1, s0  }
0xbc: {  	s0 =	sadd.s32 $0x8F2B, s0  }
0xbd: {  	[sflag:s0] =	ssyncadd.remote.s32 $0x1  }
0xbe: {  	_ =	sfence.sel $0xFFFF  }
0xbf: {  	[dreg:$0x0] =	wrdreg $0xFFFFFFFF;
	(pc) =	sbr.abs _section_cstart, $3  }
0xc0: {  	[dreg:$0x1] =	wrdreg $0xFFFFFFFF  }
0xc1: {  	_ =	task.clear_ibuf [dreg:s6], $0x2FFFF;
	_ =	strace $0x9FFFFFFF  }
0xc2: {  	(tm) =	ssettm $0x7FFFFFFF  }
0xc3: {  	_ =	shalt  }
tec
execute0_lowered:
.L_overlay_start_1:
0x0: {  	(tag) =	ssettag $0x1  }
0x1: {  	s5 =	rddreg [dreg:$0x0]  }
0x2: {  	s0 =	srdreg.scid;
	s3 =	stileid.u32  }
0x3: {  	s1 =	rddreg [dreg:$0x1];
	s2 =	simm.s32 $0x0;
	s26 =	smul.u32 $0x4F000, s3  }
0x4: {  	s6 =	sand.u32 $0x1, s0;
	s0 =	rddreg [dreg:$0x2];
	s13 =	smul.u32 $0x2780, s3  }
0x5: {  	[smem:$0x7FF] =	sst s2;
	s29 =	sshll.u32 s3, $0xA;
	s4 =	smul.u32 $0x271000, s6  }
0x6: {  	s30 =	sshll.u32 s3, $0x3;
	p0 =	seq.s32 s3, $0xF;
	s7 =	smul.u32 $0x4E20, s6  }
0x7: {  	_ =	strace $0x8000004A;
	s8 =	smul.u32 $0x27100, s6;
	s11 =	ssub.s32 $0x2, s6  }
0x8: {  	s6 =	smul.u32 $0x138800, s6;
	s12 =	sshrl.u32 s11, $0x1;
	s9 =	sadd.s32 s4, s5  }
0x9: {  	s10 =	sadd.s32 s7, s5;
	s4 =	sadd.s32 $0x8D200, s5;
	s5 =	sadd.s32 $0x3F000, s5  }
0xa: {  	s11 =	ssub.s32 s11, s12;
	s7 =	sshrl.u32 s26, $0x2;
	s6 =	sshrl.u32 s6, $0x3  }
0xb: {  	s28 =	sadd.s32 s13, s8;
	s13 =	sadd.s32 $0x128400, s1;
	s12 =	sadd.s32 s7, s1  }
0xc: {  	s6 =	sadd.s32 s5, s6;
	s5 =	sadd.s32 s5, s28;
	s7 =	smax.u32 s11, $0x1  }
0xd: {  	s8 =	sadd.s32 s29, s9;
	s31 =	sadd.s32 s30, s10;
	s11 =	sshll.u32 @!p0 s3, $0x6  }
0xe: {  	s10 =	sshrl.u32 @p0 s13, $0x3;
	s6 =	sadd.s32 $0x25080, s6;
	s8 =	sadd.s32 $0xA16A00, s8  }
0xf: {  	s9 =	sadd.s32 $0xDE00, s31;
	s11 =	sor.u32 @!p0 $0x1C01, s11;
	s12 =	sshrl.u32 @!p0 s12, $0x3  }
.LBB2_1:
0x10: {  	s13 =	simm.s32 @p0 $0x1FC1  }
0x11: {  	[spmem:s10], [sflag:s13] =	dma.local @p0 [hbm:s4], $0x2080  }
0x12: {  	s13 =	simm.s32 @p0 $0x1  }
0x13: {  	_ =	swait.ge @p0 [sflag:s13], $0x2080  }
0x14: {  	[sflag:s13] =	ssyncset.done @p0 $0x0  }
0x15: {  	[sflag:s13] =	ssyncadd.s32 @p0 $0xFFFFDF80;
	s13 =	simm.s32 @!p0 $0x1  }
0x16: {  	[spmem:s12], [sflag:s11] =	dma.local @!p0 [hbm:s4], $0x2780  }
0x17: {  	_ =	swait.ge @!p0 [sflag:s13], $0x2780  }
0x18: {  	s14 =	sadd.s32 $0x0, s3;
	[sflag:s13] =	ssyncset.done @!p0 $0x0  }
0x19: {  	p1 =	sgt.u32 s14, $0x9C3;
	[sflag:s13] =	ssyncadd.s32 @!p0 $0xFFFFD880  }
0x1a: {  	s14 =	simm.s32 @!p1 $0x0;
	s15 =	simm.s32 @!p1 $0x2;
	[bflag:$0x0] =	sbarrier.arrive $0xFFFF  }
0x1b: {  	[tilespmem:s14], [sflag:$0x2] =	stream.linear.gather @!p1 [hbm4b:s9+s14], $0x40, $0x38;
	[tilespmem:$0x15900] =	vst v63  }
0x1c: {  	_ =	swait.ge @!p1 [sflag:s15], $0x40  }
0x1d: {  	[sflag:s15] =	ssyncset.done @!p1 $0x0;
	p1 =	por p1, p1  }
0x1e: {  	[sflag:s15] =	ssyncadd.s32 @!p1 $0xFFFFFFC0;
	s17 =	simm.s32 @!p1 $0x80  }
0x1f: {  	[tilespmem:s17], [sflag:$0x2] =	stream.linear.gather @!p1 [hbm4b:s8+s14], $0x2000, $0x38;
	[tilespmem:$0x15900] =	vst v63  }
0x20: {  	_ =	swait.ge @!p1 [sflag:s15], $0x2000  }
0x21: {  	s31 =	sadd.s32 $0x10, s3;
	[sflag:s15] =	ssyncset.done @!p1 $0x0  }
0x22: {  	s16 =	simm.s32 @!p1 $0x1;
	[sflag:s15] =	ssyncadd.s32 @!p1 $0xFFFFE000;
	s15 =	simm.s32 @!p1 $0x40  }
0x23: {  	[spmem:s1] =	stream.indirect.scatter.add.f32 @!p1 [tilespmem:s17], [sflag:$0x1], $0x80, s14, s15, $0xb8;
	[tilespmem:$0x15900] =	vst v63  }
0x24: {  	p2 =	sgt.u32 s31, $0x9C3;
	s13 =	simm.s32 $0x20;
	_ =	swait.ge @!p1 [sflag:s16], $0x2000  }
0x25: {  	s15 =	sadd.s32 $0x80, s9;
	s14 =	sadd.s32 $0x4000, s8;
	[sflag:s16] =	ssyncset.done @!p1 $0x0  }
.LBB2_2:
0x26: {  	s17 =	simm.s32 @!p2 $0x0;
	s18 =	simm.s32 @!p2 $0x2;
	[sflag:s16] =	ssyncadd.s32 @!p1 $0xFFFFE000  }
0x27: {  	[tilespmem:s17], [sflag:$0x2] =	stream.linear.gather @!p2 [hbm4b:s15+s17], $0x40, $0x38;
	[tilespmem:$0x15900] =	vst v63  }
0x28: {  	s19 =	smov.u32 s13;
	s13 =	sadd.s32 $0x10, s13;
	_ =	swait.ge @!p2 [sflag:s18], $0x40  }
0x29: {  	p1 =	por p2, p2;
	p3 =	sne.s32 s13, $0x9D0;
	[sflag:s18] =	ssyncset.done @!p2 $0x0  }
0x2a: {  	s20 =	simm.s32 @!p1 $0x80;
	[sflag:s18] =	ssyncadd.s32 @!p1 $0xFFFFFFC0  }
0x2b: {  	[tilespmem:s20], [sflag:$0x2] =	stream.linear.gather @!p1 [hbm4b:s14+s17], $0x2000, $0x38;
	[tilespmem:$0x15900] =	vst v63  }
0x2c: {  	_ =	swait.ge @!p1 [sflag:s18], $0x2000  }
.Ltmp0:
0x2d: {  	[sflag:s18] =	ssyncset.done @!p1 $0x0;
	(pc) =	sbr.rel @p3 .LBB2_2-.Ltmp0, $4  }
0x2e: {  	s16 =	simm.s32 @!p1 $0x1;
	[sflag:s18] =	ssyncadd.s32 @!p1 $0xFFFFE000;
	s18 =	simm.s32 @!p1 $0x40  }
0x2f: {  	[spmem:s1] =	stream.indirect.scatter.add.f32 @!p1 [tilespmem:s20], [sflag:$0x1], $0x80, s17, s18, $0xb8;
	[tilespmem:$0x15900] =	vst v63  }
0x30: {  	s15 =	sadd.s32 $0x80, s15;
	s17 =	sadd.s32 s19, s3;
	_ =	swait.ge @!p1 [sflag:s16], $0x2000  }
0x31: {  	s14 =	sadd.s32 $0x4000, s14;
	p2 =	sgt.u32 s17, $0x9C3;
	[sflag:s16] =	ssyncset.done @!p1 $0x0  }
0x32: {  	s13 =	simm.s32 @!p2 $0x0;
	s17 =	simm.s32 @!p2 $0x2;
	[sflag:s16] =	ssyncadd.s32 @!p1 $0xFFFFE000  }
0x33: {  	[tilespmem:s13], [sflag:$0x2] =	stream.linear.gather @!p2 [hbm4b:s15+s13], $0x40, $0x38;
	[tilespmem:$0x15900] =	vst v63  }
0x34: {  	_ =	swait.ge @!p2 [sflag:s17], $0x40  }
0x35: {  	p1 =	por p2, p2;
	[sflag:s17] =	ssyncset.done @!p2 $0x0  }
0x36: {  	s15 =	simm.s32 @!p1 $0x80;
	[sflag:s17] =	ssyncadd.s32 @!p1 $0xFFFFFFC0  }
0x37: {  	[tilespmem:s15], [sflag:$0x2] =	stream.linear.gather @!p1 [hbm4b:s14+s13], $0x2000, $0x38;
	[tilespmem:$0x15900] =	vst v63  }
0x38: {  	_ =	swait.ge @!p1 [sflag:s17], $0x2000  }
0x39: {  	[sflag:s17] =	ssyncset.done @!p1 $0x0  }
0x3a: {  	s16 =	simm.s32 @!p1 $0x1;
	s14 =	simm.s32 @!p1 $0x40;
	[sflag:s17] =	ssyncadd.s32 @!p1 $0xFFFFE000  }
0x3b: {  	[spmem:s1] =	stream.indirect.scatter.add.f32 @!p1 [tilespmem:s15], [sflag:$0x1], $0x80, s13, s14, $0xb8;
	[tilespmem:$0x15900] =	vst v63  }
0x3c: {  	_ =	swait.ge @!p1 [sflag:s16], $0x2000  }
0x3d: {  	[sflag:s16] =	ssyncset.done @!p1 $0x0  }
0x3e: {  	[sflag:s16] =	ssyncadd.s32 @!p1 $0xFFFFE000  }
0x3f: {  	s13 =	simm.s32 @p0 $0x1FC1;
	[bflag:$0x0] =	sbarrier.arrive $0xFFFF  }
0x40: {  	[hbm:s6], [sflag:s13] =	dma.local @p0 [spmem:s10], $0x2080  }
0x41: {  	s13 =	simm.s32 @p0 $0x1  }
0x42: {  	s2 =	sadd.s32 $0x1, s2;
	_ =	swait.ge @p0 [sflag:s13], $0x2080  }
0x43: {  	p1 =	sne.s32 s2, s7;
	[sflag:s13] =	ssyncset.done @p0 $0x0  }
.Ltmp1:
0x44: {  	[sflag:s13] =	ssyncadd.s32 @p0 $0xFFFFDF80;
	s13 =	simm.s32 @!p0 $0x1;
	(pc) =	sbr.rel @p1 .LBB2_1-.Ltmp1, $4  }
0x45: {  	[hbm:s5], [sflag:s11] =	dma.local @!p0 [spmem:s12], $0x2780  }
0x46: {  	_ =	swait.ge @!p0 [sflag:s13], $0x2780  }
0x47: {  	[sflag:s13] =	ssyncset.done @!p0 $0x0  }
0x48: {  	[sflag:s13] =	ssyncadd.s32 @!p0 $0xFFFFD880  }
0x49: {  	_ =	sfence.sel $0x180000  }
0x4a: {  	[bflag:$0x0] =	sbarrier.arrive $0xFFFF  }
0x4b: {  	p0 =	sne.s32 s3, $0x0;
	_ =	strace $0x9000004A  }
0x4c: {  	s0 =	sadd.s32 @!p0 $0x100000, s0;
	[bflag:$0x2] =	sbarrier.arrive $0xFFFF  }
0x4d: {  	[sflag:s0] =	ssyncadd.tile.s32 @!p0 $0x1;
	_ =	shalt  }
.Lfunc_end2:
_tile_overlayer_lowered:
.L_overlay_start_2:
0x4e: {  	(tag) =	ssettag $0x2  }
0x4f: {  	s0 =	rddreg [dreg:$0x0];
	s2 =	stileid.u32  }
0x50: {  	s1 =	rddreg [dreg:$0x1];
	p0 =	sne.s32 s2, $0x0  }
0x51: {  	s3 =	rddreg [dreg:$0x2];
	[bflag:$0x3] =	sbarrier.arrive $0xFFFF;
	s2 =	simm.s32 @!p0 $0x1C01  }
0x52: {  	[timem:s3], [sflag:s2] =	dma.local @!p0 [hbm:s0], s1  }
0x53: {  	s0 =	simm.s32 @!p0 $0x1  }
0x54: {  	_ =	swait.ge @!p0 [sflag:s0], s1  }
0x55: {  	s1 =	ssub.s32 @!p0 $0x0, s1;
	[sflag:s0] =	ssyncset.done @!p0 $0x0  }
0x56: {  	[sflag:s0] =	ssyncadd.s32 @!p0 s1  }
0x57: {  	[bflag:$0x3] =	sbarrier.arrive $0xFFFF  }
0x58: {  	_ =	shalt  }

// kernel: kernel.15.cloned.1.call-start
scs
__scs_entry_jumppad:
0x0: {  	(pc) =	sbr.rel $0x88, $3  }
0x1: {  	(tag) =	ssettag $0x0;
	lr =	simm.s32 $0x1  }
0x2: {  	[smem:$0x3F94] =	sst lr;
	_ =	strace $0xD0000000  }
0x3: {  	_ = 	snop  }
0x4: {  	_ = 	snop  }
0x5: {  	_ = 	snop  }
0x6: {  	_ = 	snop  }
0x7: {  	_ = 	snop  }
__scs_overlays_trampoline_lowered:
0x8: {  	[smem:$0x3FA3] =	sst s0  }
0x9: {  	[smem:$0x3FA4] =	sst s1  }
0xa: {  	[smem:$0x3FA5] =	sst s2  }
0xb: {  	[smem:$0x3FA6] =	sst s3  }
0xc: {  	[smem:$0x3FA7] =	sst s4  }
0xd: {  	[smem:$0x3FA8] =	sst s5  }
0xe: {  	[smem:$0x3FA9] =	sst s6  }
0xf: {  	[smem:$0x3FAA] =	sst s7  }
0x10: {  	[smem:$0x3FAB] =	sst s8  }
0x11: {  	[smem:$0x3FAC] =	sst s9;
	s0 =	simm.s32 @!p0 $0x0  }
0x12: {  	s1 =	sld [smem:$0x3F92];
	s0 =	simm.s32 @p0 $0x1  }
0x13: {  	[smem:$0x3FAD] =	sst s0;
	s0 =	simm.s32 @!p1 $0x0  }
0x14: {  	s2 =	sld [smem:$0x3F91];
	s0 =	simm.s32 @p1 $0x1  }
0x15: {  	[smem:$0x3FAE] =	sst s0;
	s0 =	simm.s32 @!p2 $0x0  }
0x16: {  	s3 =	sld [smem:$0x3FDB];
	s0 =	simm.s32 @p2 $0x1  }
0x17: {  	s4 =	simm.s32 $0x1BF5;
	[smem:$0x3FB0] =	sst s0  }
0x18: {  	s0 =	sld [smem:$0x3F93];
	_ =	swait.ge [sflag:s4], $0x0  }
0x19: {  	s7 =	sld [smem:$0x3F94]  }
0x1a: {  	s8 =	sadd.s32 $0xFFFFE003, lr  }
0x1b: {  	s9 =	sadd.s32 $0xFFFFFEF7, lr;
	s5 =	simm.s32 $0xFFFFFFFF;
	p2 =	slt.u32 s8, $0xFFFFF086  }
0x1c: {  	p1 =	slt.u32 s9, $0xF7A;
	s5 =	simm.s32 @!p2 $0x0  }
0x1d: {  	s5 =	simm.s32 @p1 $0x1;
	p0 =	seq.s32 s7, s2  }
0x1e: {  	s7 =	smul.u32 @!p0 $0xF7A, s2;
	p2 =	seq.s32 @!p0 s5, $0x0  }
0x1f: {  	s9 =	smul.u32 $0xF7A, s1;
	s8 =	simm.s32 @!p0 $0x1BF5;
	p2 =	por !p2, p0  }
0x20: {  	[sflag:s8] =	ssyncset.s32 @!p0 $0xFFFFF086;
	s6 =	sadd.s32 @!p0 s3, s7;
	s7 =	simm.s32 @!p0 $0x108  }
0x21: {  	s3 =	sadd.s32 s3, s9;
	s6 =	sadd.s32 @!p0 $0x88, s6;
	s7 =	simm.s32 @p2 $0x1082  }
0x22: {  	[simem:s7], [sflag:s8] =	dma.local @!p0 [hbm:s6], $0xF7A  }
0x23: {  	s9 =	sor.u32 $0xD0000000, s2;
	s6 =	simm.s32 $0x108;
	_ =	swait.ge @!p0 [sflag:s8], $0x0  }
0x24: {  	s3 =	sadd.s32 $0x88, s3;
	s6 =	simm.s32 @!p1 $0x1082;
	[sflag:s4] =	ssyncset.s32 $0xFFFFF086  }
0x25: {  	[simem:s6], [sflag:s4] =	dma.local [hbm:s3], $0xF7A  }
0x26: {  	[smem:$0x3F94] =	sst s1;
	(tag) =	ssettag s2;
	_ =	strace s9  }
0x27: {  	s1 =	sld [smem:$0x3FA4]  }
0x28: {  	s2 =	sld [smem:$0x3FA5]  }
0x29: {  	s4 =	sld [smem:$0x3FA7]  }
0x2a: {  	p0 =	seq.s32 s5, $0x0;
	s5 =	sld [smem:$0x3FA8]  }
0x2b: {  	s6 =	sld [smem:$0x3FA9]  }
0x2c: {  	s7 =	sld [smem:$0x3FAA]  }
0x2d: {  	s3 =	simm.s32 $0x108;
	s8 =	sld [smem:$0x3FAB]  }
0x2e: {  	s3 =	simm.s32 @!p0 $0x1082;
	s9 =	sld [smem:$0x3FAC]  }
0x2f: {  	lr =	sadd.s32 s0, s3;
	s0 =	sld [smem:$0x3FA3]  }
0x30: {  	s3 =	sld [smem:$0x3FA6]  }
0x31: {  	[smem:$0x3FAF] =	sst s10  }
0x32: {  	s10 =	sld [smem:$0x3FAD];
	_ =	sdelay $0x3  }
0x33: {  	p0 =	seq.s32 s10, $0x1;
	s10 =	sld [smem:$0x3FAF];
	_ =	sdelay $0x3  }
0x34: {  	[smem:$0x3FAF] =	sst s10  }
0x35: {  	s10 =	sld [smem:$0x3FAE];
	_ =	sdelay $0x3  }
0x36: {  	p1 =	seq.s32 s10, $0x1;
	s10 =	sld [smem:$0x3FAF];
	_ =	sdelay $0x3  }
0x37: {  	[smem:$0x3FAF] =	sst s10  }
0x38: {  	s10 =	sld [smem:$0x3FB0]  }
0x39: {  	_ = 	snop;
	(pc) =	sbr.ind lr, $3  }
0x3a: {  	_ = 	snop  }
0x3b: {  	_ = 	snop  }
0x3c: {  	p2 =	seq.s32 s10, $0x1;
	s10 =	sld [smem:$0x3FAF]  }
0x3d: {  	_ =	shalt  }
0x3e: {  	_ =	shalt  }
0x3f: {  	_ =	shalt  }
0x40: {  	_ =	shalt  }
0x41: {  	_ =	shalt  }
0x42: {  	_ =	shalt  }
0x43: {  	_ =	shalt  }
0x44: {  	_ =	shalt  }
0x45: {  	_ =	shalt  }
0x46: {  	_ =	shalt  }
0x47: {  	_ =	shalt  }
0x48: {  	_ =	shalt  }
0x49: {  	_ =	shalt  }
0x4a: {  	_ =	shalt  }
0x4b: {  	_ =	shalt  }
0x4c: {  	_ =	shalt  }
0x4d: {  	_ =	shalt  }
0x4e: {  	_ =	shalt  }
0x4f: {  	_ =	shalt  }
0x50: {  	_ =	shalt  }
0x51: {  	_ =	shalt  }
0x52: {  	_ =	shalt  }
0x53: {  	_ =	shalt  }
0x54: {  	_ =	shalt  }
0x55: {  	_ =	shalt  }
0x56: {  	_ =	shalt  }
0x57: {  	_ =	shalt  }
0x58: {  	_ =	shalt  }
0x59: {  	_ =	shalt  }
0x5a: {  	_ =	shalt  }
0x5b: {  	_ =	shalt  }
0x5c: {  	_ =	shalt  }
0x5d: {  	_ =	shalt  }
0x5e: {  	_ =	shalt  }
0x5f: {  	_ =	shalt  }
0x60: {  	_ =	shalt  }
0x61: {  	_ =	shalt  }
0x62: {  	_ =	shalt  }
0x63: {  	_ =	shalt  }
0x64: {  	_ =	shalt  }
0x65: {  	_ =	shalt  }
0x66: {  	_ =	shalt  }
0x67: {  	_ =	shalt  }
0x68: {  	_ =	shalt  }
0x69: {  	_ =	shalt  }
0x6a: {  	_ =	shalt  }
0x6b: {  	_ =	shalt  }
0x6c: {  	_ =	shalt  }
0x6d: {  	_ =	shalt  }
0x6e: {  	_ =	shalt  }
0x6f: {  	_ =	shalt  }
0x70: {  	_ =	shalt  }
0x71: {  	_ =	shalt  }
0x72: {  	_ =	shalt  }
0x73: {  	_ =	shalt  }
0x74: {  	_ =	shalt  }
0x75: {  	_ =	shalt  }
0x76: {  	_ =	shalt  }
0x77: {  	_ =	shalt  }
0x78: {  	_ =	shalt  }
0x79: {  	_ =	shalt  }
0x7a: {  	_ =	shalt  }
0x7b: {  	_ =	shalt  }
0x7c: {  	_ =	shalt  }
0x7d: {  	_ =	shalt  }
0x7e: {  	_ =	shalt  }
0x7f: {  	_ =	shalt  }
0x80: {  	_ =	shalt  }
0x81: {  	_ =	shalt  }
0x82: {  	_ =	shalt  }
0x83: {  	_ =	shalt  }
0x84: {  	_ =	shalt  }
0x85: {  	_ =	shalt  }
0x86: {  	_ =	shalt  }
0x87: {  	_ =	shalt  }
.Lfunc_end0:
.L_simem_size_0:
called_computation.2_lowered:
.L_overlay_start_0:
0x88: {  	s2 =	sld [smem:$0x3FD9]  }
0x89: {  	s3 =	sld [smem:$0x3FFE];
	_ =	sdelay $0x1  }
0x8a: {  	s1 =	srdreg.scid  }
0x8b: {  	s0 =	sand.u32 $0x1, s1  }
0x8c: {  	s16 =	sshll.u32 s0, $0xA;
	s2 =	sadd.s32 s3, s2  }
0x8d: {  	s2 =	sadd.s32 s2, s16  }
0x8e: {  	[smem:$0x3FBB] =	sst s2  }
0x8f: {  	_ = 	snop  }
0x90: {  	(tm) =	ssettm $0x1  }
0x91: {  	s17 =	sld [smem:$0x3FFB];
	_ =	sdelay $0x3  }
0x92: {  	_ =	strace s17  }
0x93: {  	s2 =	sld [smem:$0x3FFC];
	_ =	sdelay $0x3  }
0x94: {  	_ =	strace s2  }
0x95: {  	s2 =	sld [smem:$0x3FFD];
	_ =	sdelay $0x3  }
0x96: {  	_ =	strace s2  }
0x97: {  	_ =	strace $0x8FFFFFFF  }
0x98: {  	s18 =	sld [smem:$0x3FDB];
	_ =	sdelay $0x1  }
0x99: {  	s19 =	simm.s32 $_scs_section_size  }
0x9a: {  	s4 =	simm.s32 $_size__tile_overlayer_lowered;
	s5 =	simm.s32 $_tile_overlayer_lowered  }
0x9b: {  	s22 =	simm.s32 $0x1BFF;
	s21 =	sshll.u32 s5, $0x1;
	s2 =	sadd.s32 s19, s18  }
0x9c: {  	s6 =	simm.s32 $0x0;
	s20 =	sshll.u32 s4, $0x1;
	s4 =	sadd.s32 s21, s2  }
0x9d: {  	[timem:s6], [sflag:s22] =	dma.local [hbm:s4], s20  }
0x9e: {  	_ =	swait.ge [sflag:s22], s20  }
0x9f: {  	s3 =	ssub.s32 $0x0, s20;
	[sflag:s22] =	ssyncset.done $0x0  }
0xa0: {  	[sflag:s22] =	ssyncadd.s32 s3;
	_ =	sdelay $0x1  }
0xa1: {  	s23 =	simm.s32 $0x1B8B  }
0xa2: {  	_ =	swait.ge [sflag:s23], $0x1  }
0xa3: {  	[sflag:s23] =	ssyncset.done $0x0  }
0xa4: {  	s25 =	simm.s32 $0x1B8E;
	s24 =	sld [smem:$0x3FFE];
	[sflag:s23] =	ssyncadd.s32 $0xFFFFFFFF  }
0xa5: {  	s26 =	simm.s32 $execute0_lowered;
	[smem:$0x3FD2] =	sst s25  }
0xa6: {  	s4 =	sshll.u32 s26, $0x1;
	_ =	strace $0x8000004C;
	[dreg:$0x1] =	wrdreg $0xFFFFFFFF  }
0xa7: {  	s28 =	simm.s32 $_size_execute0_lowered;
	s2 =	sadd.s32 s2, s4;
	[dreg:$0x0] =	wrdreg $0x0  }
0xa8: {  	s4 =	sshll.u32 s28, $0x1;
	[dreg:$0x2] =	wrdreg s2  }
0xa9: {  	[dreg:$0x3] =	wrdreg s4  }
0xaa: {  	[dreg:$0x4] =	wrdreg $0xC0  }
0xab: {  	_ =	task [dreg:s6], $0x5FFFF  }
0xac: {  	[dreg:$0x1] =	wrdreg $0xFFFFFFFF  }
0xad: {  	[dreg:$0x0] =	wrdreg $0x60  }
0xae: {  	[dreg:$0x2] =	wrdreg s24  }
0xaf: {  	[dreg:$0x3] =	wrdreg $0x61000  }
0xb0: {  	[dreg:$0x4] =	wrdreg $0x9  }
0xb1: {  	_ =	task.clear_ibuf [dreg:s6], $0x5FFFF;
	_ =	strace $0x9000004C  }
0xb2: {  	s29 =	simm.s32 $0x9;
	_ =	strace $0x8000004E  }
0xb3: {  	_ =	swait.ge [sflag:s29], $0x1  }
0xb4: {  	[sflag:s29] =	ssyncadd.s32 $0xFFFFFFFF  }
0xb5: {  	_ =	strace $0x9000004E  }
0xb6: {  	_ =	sfence  }
0xb7: {  	s30 =	sld [smem:$0x0];
	_ =	sdelay $0x2  }
0xb8: {  	s31 =	sshll.u32 s1, $0xD;
	s1 =	sshrl.u32 s1, $0x2  }
0xb9: {  	s3 =	sand.u32 $0x4000, s31;
	s1 =	sadd.s32 s1, s30  }
0xba: {  	s0 =	sor.u32 s3, s0;
	s1 =	sshll.u32 s1, $0x11  }
0xbb: {  	s0 =	sor.u32 s1, s0  }
0xbc: {  	s0 =	sadd.s32 $0x8F2B, s0  }
0xbd: {  	[sflag:s0] =	ssyncadd.remote.s32 $0x1  }
0xbe: {  	_ =	sfence.sel $0xFFFF  }
0xbf: {  	[dreg:$0x0] =	wrdreg $0xFFFFFFFF;
	(pc) =	sbr.abs _section_cstart, $3  }
0xc0: {  	[dreg:$0x1] =	wrdreg $0xFFFFFFFF  }
0xc1: {  	_ =	task.clear_ibuf [dreg:s6], $0x2FFFF;
	_ =	strace $0x9FFFFFFF  }
0xc2: {  	(tm) =	ssettm $0x7FFFFFFF  }
0xc3: {  	_ =	shalt  }
tec
execute0_lowered:
.L_overlay_start_1:
0x0: {  	(tag) =	ssettag $0x1  }
0x1: {  	s9 =	rddreg [dreg:$0x0]  }
0x2: {  	s1 =	rddreg [dreg:$0x1]  }
0x3: {  	s0 =	rddreg [dreg:$0x2]  }
0x4: {  	s2 =	simm.s32 $0x0;
	s4 =	srdreg.scid;
	s18 =	simm.s32 $0x100  }
0x5: {  	s19 =	simm.s32 $0x1;
	s20 =	simm.s32 $0x4100;
	s21 =	simm.s32 $0x40  }
0x6: {  	s22 =	simm.s32 $0x2;
	[smem:$0x7FF] =	sst s2;
	s10 =	sand.u32 $0x1, s4  }
0x7: {  	s3 =	sadd.s32 $0x2B600, s9;
	s4 =	stileid.u32;
	s11 =	smul.u32 $0x27100, s10  }
0x8: {  	s5 =	sadd.s32 $0xA16A00, s9;
	s6 =	sadd.s32 $0x17C00, s9;
	s13 =	smul.u32 $0x4F000, s4  }
0x9: {  	s7 =	sadd.s32 $0x4000, s9;
	s8 =	sadd.s32 $0x8D200, s9;
	s15 =	smul.u32 $0x138800, s10  }
0xa: {  	s14 =	sadd.s32 $0x8FA00, s9;
	s12 =	ssub.s32 $0x2, s10;
	s16 =	smul.u32 $0x2780, s4  }
0xb: {  	_ =	strace $0x8000004D;
	s9 =	smul.u32 $0x9C4, s10;
	s30 =	sshrl.u32 s12, $0x1  }
0xc: {  	p0 =	seq.s32 s4, $0xF;
	s12 =	ssub.s32 s12, s30;
	s13 =	sshrl.u32 s13, $0x2  }
.Ltmp0:
0xd: {  	s31 =	sshrl.u32 s15, $0x3;
	s11 =	sadd.s32 s16, s11;
	(pc) =	sbr.rel .LBB2_1-.Ltmp0, $4  }
0xe: {  	s16 =	simm.s32 $0x3;
	s17 =	sadd.s32 s13, s1;
	s13 =	sadd.s32 $0x128400, s1  }
0xf: {  	s15 =	sadd.s32 s14, s31;
	s10 =	sadd.s32 s14, s11;
	s12 =	smax.u32 s12, $0x1  }
0x10: {  	s14 =	sshll.u32 @!p0 s4, $0x6;
	s11 =	sadd.s32 $0x25080, s15;
	s13 =	sshrl.u32 @p0 s13, $0x3  }
0x11: {  	s14 =	sor.u32 @!p0 $0x1C02, s14;
	s15 =	sshrl.u32 @!p0 s17, $0x3;
	s17 =	simm.s32 $0x80  }
.LBB2_7:
0x12: {  	[bflag:$0x0] =	sbarrier.arrive $0xFFFF;
	s23 =	simm.s32 @p0 $0x1FC2  }
0x13: {  	[hbm:s11], [sflag:s23] =	dma.local @p0 [spmem:s13], $0x2080  }
0x14: {  	s23 =	simm.s32 @p0 $0x2  }
0x15: {  	s2 =	sadd.s32 $0x1, s2;
	_ =	swait.ge @p0 [sflag:s23], $0x2080  }
0x16: {  	p1 =	sne.s32 s2, s12;
	[sflag:s23] =	ssyncset.done @p0 $0x0  }
.Ltmp1:
0x17: {  	[sflag:s23] =	ssyncadd.s32 @p0 $0xFFFFDF80;
	s23 =	simm.s32 @!p0 $0x2;
	(pc) =	sbr.rel @!p1 .LBB2_8-.Ltmp1, $4  }
0x18: {  	[hbm:s10], [sflag:s14] =	dma.local @!p0 [spmem:s15], $0x2780  }
0x19: {  	_ =	swait.ge @!p0 [sflag:s23], $0x2780  }
0x1a: {  	[sflag:s23] =	ssyncset.done @!p0 $0x0  }
0x1b: {  	[sflag:s23] =	ssyncadd.s32 @!p0 $0xFFFFD880  }
.LBB2_1:
0x1c: {  	s23 =	simm.s32 @p0 $0x1FC2  }
0x1d: {  	[spmem:s13], [sflag:s23] =	dma.local @p0 [hbm:s8], $0x2080  }
0x1e: {  	s23 =	simm.s32 @p0 $0x2  }
0x1f: {  	_ =	swait.ge @p0 [sflag:s23], $0x2080  }
0x20: {  	[sflag:s23] =	ssyncset.done @p0 $0x0  }
0x21: {  	[sflag:s23] =	ssyncadd.s32 @p0 $0xFFFFDF80;
	s23 =	simm.s32 @!p0 $0x2  }
0x22: {  	[spmem:s15], [sflag:s14] =	dma.local @!p0 [hbm:s8], $0x2780  }
.Ltmp2:
0x23: {  	_ =	swait.ge @!p0 [sflag:s23], $0x2780;
	(pc) =	sbr.rel .LBB2_2-.Ltmp2, $4  }
0x24: {  	[sflag:s23] =	ssyncset.done @!p0 $0x0  }
0x25: {  	[sflag:s23] =	ssyncadd.s32 @!p0 $0xFFFFD880  }
0x26: {  	[bflag:$0x0] =	sbarrier.arrive $0xFFFF  }
0x27: {  	s23 =	simm.s32 $0x0  }
.LBB2_6:
0x28: {  	s23 =	sadd.s32 $0x1, s23  }
0x29: {  	p1 =	sne.s32 s23, $0x9D  }
.Ltmp3:
0x2a: {  	_ = 	snop;
	(pc) =	sbr.rel @!p1 .LBB2_7-.Ltmp3, $1  }
0x2b: {  	_ =	sdelay $0x3  }
.LBB2_2:
0x2c: {  	s24 =	sshll.u32 s23, $0x4  }
0x2d: {  	s24 =	sor.u32 s4, s24  }
0x2e: {  	p1 =	sgt.u32 s24, $0x9C3  }
.Ltmp4:
0x2f: {  	_ = 	snop;
	(pc) =	sbr.rel @p1 .LBB2_6-.Ltmp4, $1  }
0x30: {  	_ =	sdelay $0x3  }
0x31: {  	s24 =	sadd.s32 s9, s24  }
0x32: {  	s25 =	sshll.u32 s24, $0x4  }
0x33: {  	s26 =	simm.s32 $0x0;
	s25 =	sadd.s32 s6, s25  }
0x34: {  	[tilespmem:s26], [sflag:$0x3] =	stream.linear.gather [hbm4b:s25+s26], $0x80, $0x38;
	[tilespmem:$0x19980] =	vst v63  }
0x35: {  	_ =	swait.ge [sflag:s16], $0x80  }
0x36: {  	s31 =	sshll.u32 s24, $0x3;
	[sflag:s16] =	ssyncset.done $0x0  }
0x37: {  	s25 =	sadd.s32 s7, s31;
	[sflag:s16] =	ssyncadd.s32 $0xFFFFFF80  }
0x38: {  	[tilespmem:s17], [sflag:$0x3] =	stream.linear.gather [hbm4b:s25+s26], $0x40, $0x38;
	[tilespmem:$0x19980] =	vst v63  }
0x39: {  	_ =	swait.ge [sflag:s16], $0x40  }
0x3a: {  	[sflag:s16] =	ssyncset.done $0x0  }
0x3b: {  	[sflag:s16] =	ssyncadd.s32 $0xFFFFFFC0  }
0x3c: {  	[tilespmem:s18], [sflag:$0x1] =	stream.indirect.gather [hbm4b:s3+s17], $0x80, s26, s17, $0xb8;
	[tilespmem:$0x19980] =	vst v63  }
0x3d: {  	_ =	swait.ge [sflag:s19], $0x4000  }
0x3e: {  	s24 =	sshll.u32 s24, $0xA;
	[sflag:s19] =	ssyncset.done $0x0  }
0x3f: {  	s24 =	sadd.s32 s5, s24;
	[sflag:s19] =	ssyncadd.s32 $0xFFFFC000  }
0x40: {  	[tilespmem:s20], [sflag:$0x3] =	stream.linear.gather [hbm4b:s24+s26], $0x2000, $0x38;
	[tilespmem:$0x19980] =	vst v63  }
0x41: {  	_ =	swait.ge [sflag:s16], $0x2000  }
0x42: {  	[sflag:s16] =	ssyncset.done $0x0  }
0x43: {  	s24 =	simm.s32 $0x0;
	[sflag:s16] =	ssyncadd.s32 $0xFFFFE000  }
0x44: {  	v5 =	vld [tilespmem:s24+$0x2100]  }
0x45: {  	v4 =	vld [tilespmem:s24+$0x2110]  }
0x46: {  	v3 =	vld [tilespmem:s24+$0x2120]  }
0x47: {  	v2 =	vld [tilespmem:s24+$0x2130]  }
0x48: {  	v1 =	vld [tilespmem:s24+$0x2140]  }
0x49: {  	v0 =	vld [tilespmem:s24+$0x2150]  }
0x4a: {  	v12 =	vld [tilespmem:s24+$0x100]  }
0x4b: {  	v17 =	vld [tilespmem:s24+$0x110]  }
0x4c: {  	v11 =	vld [tilespmem:s24+$0x120]  }
0x4d: {  	v10 =	vld [tilespmem:s24+$0x130]  }
0x4e: {  	v9 =	vld [tilespmem:s24+$0x140]  }
0x4f: {  	v8 =	vld [tilespmem:s24+$0x150]  }
0x50: {  	v7 =	vld [tilespmem:s24+$0x160]  }
0x51: {  	v6 =	vld [tilespmem:s24+$0x170]  }
0x52: {  	v18 =	vld [tilespmem:s24+$0x4100]  }
0x53: {  	v19 =	vld [tilespmem:s24+$0x4110]  }
0x54: {  	v16 =	vld [tilespmem:s24+$0x4120]  }
0x55: {  	v15 =	vld [tilespmem:s24+$0x4130]  }
0x56: {  	v14 =	vld [tilespmem:s24+$0x4140]  }
0x57: {  	v13 =	vld [tilespmem:s24+$0x4150];
	v18 =	vmul.f32 v12, v18  }
0x58: {  	s25 =	simm.s32 $0x200;
	v17 =	vmul.f32 v17, v19;
	v12 =	vld [tilespmem:s24+$0x4160]  }
.LBB2_4:
0x59: {  	p1 =	sne.s32 s25, $0x7E00;
	v5 =	vmul.f32 v5, v18;
	v11 =	vmul.f32 v11, v16;
	v16 =	vld [tilespmem:s24+$0x4170]  }
0x5a: {  	v4 =	vmul.f32 v4, v17;
	v10 =	vmul.f32 v10, v15;
	v15 =	vld [tilespmem:s24+$0x2160]  }
0x5b: {  	s26 =	sshra.s32 s25, $0x2;
	[tilespmem:s24+$0x4100] =	vst v5;
	v3 =	vmul.f32 v3, v11;
	v9 =	vmul.f32 v9, v14;
	v11 =	vld [tilespmem:s24+$0x2170]  }
0x5c: {  	v5 =	vld [tilespmem:s26+$0x2100];
	[tilespmem:s24+$0x4110] =	vst v4;
	v2 =	vmul.f32 v2, v10;
	v8 =	vmul.f32 v8, v13  }
0x5d: {  	v4 =	vld [tilespmem:s26+$0x2110];
	[tilespmem:s24+$0x4120] =	vst v3;
	v1 =	vmul.f32 v1, v9;
	v7 =	vmul.f32 v7, v12  }
0x5e: {  	v3 =	vld [tilespmem:s26+$0x2120];
	[tilespmem:s24+$0x4130] =	vst v2;
	v0 =	vmul.f32 v0, v8;
	v6 =	vmul.f32 v6, v16  }
0x5f: {  	v2 =	vld [tilespmem:s26+$0x2130];
	[tilespmem:s24+$0x4140] =	vst v1;
	v7 =	vmul.f32 v15, v7  }
0x60: {  	v1 =	vld [tilespmem:s26+$0x2140];
	[tilespmem:s24+$0x4150] =	vst v0;
	v6 =	vmul.f32 v11, v6  }
0x61: {  	v0 =	vld [tilespmem:s26+$0x2150];
	[tilespmem:s24+$0x4160] =	vst v7  }
0x62: {  	v12 =	vld [tilespmem:s26+$0x100];
	[tilespmem:s24+$0x4170] =	vst v6;
	s24 =	smov.u32 s26  }
0x63: {  	v17 =	vld [tilespmem:s24+$0x110]  }
0x64: {  	v11 =	vld [tilespmem:s24+$0x120]  }
0x65: {  	v10 =	vld [tilespmem:s24+$0x130]  }
0x66: {  	v9 =	vld [tilespmem:s24+$0x140]  }
0x67: {  	v8 =	vld [tilespmem:s24+$0x150]  }
0x68: {  	v7 =	vld [tilespmem:s24+$0x160]  }
0x69: {  	v6 =	vld [tilespmem:s24+$0x170]  }
0x6a: {  	v13 =	vld [tilespmem:s24+$0x4100]  }
0x6b: {  	v19 =	vld [tilespmem:s24+$0x4110]  }
.Ltmp5:
0x6c: {  	v16 =	vld [tilespmem:s24+$0x4120];
	(pc) =	sbr.rel @p1 .LBB2_4-.Ltmp5, $4  }
0x6d: {  	v15 =	vld [tilespmem:s24+$0x4130]  }
0x6e: {  	v14 =	vld [tilespmem:s24+$0x4140]  }
0x6f: {  	v18 =	vmul.f32 v12, v13;
	v13 =	vld [tilespmem:s24+$0x4150]  }
0x70: {  	s25 =	sadd.s32 $0x200, s25;
	v17 =	vmul.f32 v17, v19;
	v12 =	vld [tilespmem:s24+$0x4160]  }
0x71: {  	v5 =	vmul.f32 v5, v18;
	v55 =	vld [tilespmem:s24+$0x4170];
	v11 =	vmul.f32 v11, v16  }
0x72: {  	v56 =	vld [tilespmem:s24+$0x2160];
	v4 =	vmul.f32 v4, v17;
	v10 =	vmul.f32 v10, v15  }
0x73: {  	v58 =	vld [tilespmem:s24+$0x2170];
	[tilespmem:s24+$0x4100] =	vst v5;
	v3 =	vmul.f32 v3, v11;
	v57 =	vmul.f32 v9, v14  }
0x74: {  	[tilespmem:s24+$0x4110] =	vst v4;
	v2 =	vmul.f32 v2, v10;
	v59 =	vmul.f32 v8, v13  }
0x75: {  	[tilespmem:s24+$0x4120] =	vst v3;
	v1 =	vmul.f32 v1, v57;
	v60 =	vmul.f32 v7, v12  }
0x76: {  	[tilespmem:s24+$0x4130] =	vst v2;
	v0 =	vmul.f32 v0, v59;
	v61 =	vmul.f32 v6, v55  }
0x77: {  	[tilespmem:s24+$0x4140] =	vst v1;
	v62 =	vmul.f32 v56, v60  }
0x78: {  	[tilespmem:s24+$0x4150] =	vst v0;
	v63 =	vmul.f32 v58, v61  }
0x79: {  	[tilespmem:s24+$0x4160] =	vst v62  }
.Ltmp6:
0x7a: {  	[tilespmem:s24+$0x4170] =	vst v63;
	(pc) =	sbr.rel .LBB2_6-.Ltmp6, $4  }
0x7b: {  	[spmem:s1] =	stream.indirect.scatter.add.f32 [tilespmem:s20], [sflag:$0x2], $0x80, s17, s21, $0xb8;
	[tilespmem:$0x19980] =	vst v63  }
0x7c: {  	_ =	swait.ge [sflag:s22], $0x2000  }
0x7d: {  	[sflag:s22] =	ssyncset.done $0x0  }
0x7e: {  	[sflag:s22] =	ssyncadd.s32 $0xFFFFE000  }
.LBB2_8:
0x7f: {  	_ =	sfence.sel $0x180000  }
0x80: {  	[bflag:$0x0] =	sbarrier.arrive $0xFFFF  }
0x81: {  	p0 =	sne.s32 s4, $0x0;
	_ =	strace $0x9000004D  }
0x82: {  	s0 =	sadd.s32 @!p0 $0x100000, s0;
	[bflag:$0x2] =	sbarrier.arrive $0xFFFF  }
0x83: {  	[sflag:s0] =	ssyncadd.tile.s32 @!p0 $0x1;
	_ =	shalt  }
.Lfunc_end2:
_tile_overlayer_lowered:
.L_overlay_start_2:
0x84: {  	(tag) =	ssettag $0x2  }
0x85: {  	s0 =	rddreg [dreg:$0x0];
	s2 =	stileid.u32  }
0x86: {  	s1 =	rddreg [dreg:$0x1];
	p0 =	sne.s32 s2, $0x0  }
0x87: {  	s3 =	rddreg [dreg:$0x2];
	[bflag:$0x3] =	sbarrier.arrive $0xFFFF;
	s2 =	simm.s32 @!p0 $0x1C02  }
0x88: {  	[timem:s3], [sflag:s2] =	dma.local @!p0 [hbm:s0], s1  }
0x89: {  	s0 =	simm.s32 @!p0 $0x2  }
0x8a: {  	_ =	swait.ge @!p0 [sflag:s0], s1  }
0x8b: {  	s1 =	ssub.s32 @!p0 $0x0, s1;
	[sflag:s0] =	ssyncset.done @!p0 $0x0  }
0x8c: {  	[sflag:s0] =	ssyncadd.s32 @!p0 s1  }
0x8d: {  	[bflag:$0x3] =	sbarrier.arrive $0xFFFF  }
0x8e: {  	_ =	shalt  }

// kernel: kernel.9.cloned.1.call-start
scs
__scs_entry_jumppad:
0x0: {  	(pc) =	sbr.rel $0x88, $3  }
0x1: {  	(tag) =	ssettag $0x0;
	lr =	simm.s32 $0x1  }
0x2: {  	[smem:$0x3F94] =	sst lr;
	_ =	strace $0xD0000000  }
0x3: {  	_ = 	snop  }
0x4: {  	_ = 	snop  }
0x5: {  	_ = 	snop  }
0x6: {  	_ = 	snop  }
0x7: {  	_ = 	snop  }
__scs_overlays_trampoline_lowered:
0x8: {  	[smem:$0x3FA3] =	sst s0  }
0x9: {  	[smem:$0x3FA4] =	sst s1  }
0xa: {  	[smem:$0x3FA5] =	sst s2  }
0xb: {  	[smem:$0x3FA6] =	sst s3  }
0xc: {  	[smem:$0x3FA7] =	sst s4  }
0xd: {  	[smem:$0x3FA8] =	sst s5  }
0xe: {  	[smem:$0x3FA9] =	sst s6  }
0xf: {  	[smem:$0x3FAA] =	sst s7  }
0x10: {  	[smem:$0x3FAB] =	sst s8  }
0x11: {  	[smem:$0x3FAC] =	sst s9;
	s0 =	simm.s32 @!p0 $0x0  }
0x12: {  	s1 =	sld [smem:$0x3F92];
	s0 =	simm.s32 @p0 $0x1  }
0x13: {  	[smem:$0x3FAD] =	sst s0;
	s0 =	simm.s32 @!p1 $0x0  }
0x14: {  	s2 =	sld [smem:$0x3F91];
	s0 =	simm.s32 @p1 $0x1  }
0x15: {  	[smem:$0x3FAE] =	sst s0;
	s0 =	simm.s32 @!p2 $0x0  }
0x16: {  	s3 =	sld [smem:$0x3FDB];
	s0 =	simm.s32 @p2 $0x1  }
0x17: {  	s4 =	simm.s32 $0x1BF5;
	[smem:$0x3FB0] =	sst s0  }
0x18: {  	s0 =	sld [smem:$0x3F93];
	_ =	swait.ge [sflag:s4], $0x0  }
0x19: {  	s7 =	sld [smem:$0x3F94]  }
0x1a: {  	s8 =	sadd.s32 $0xFFFFE003, lr  }
0x1b: {  	s9 =	sadd.s32 $0xFFFFFEF7, lr;
	s5 =	simm.s32 $0xFFFFFFFF;
	p2 =	slt.u32 s8, $0xFFFFF086  }
0x1c: {  	p1 =	slt.u32 s9, $0xF7A;
	s5 =	simm.s32 @!p2 $0x0  }
0x1d: {  	s5 =	simm.s32 @p1 $0x1;
	p0 =	seq.s32 s7, s2  }
0x1e: {  	s7 =	smul.u32 @!p0 $0xF7A, s2;
	p2 =	seq.s32 @!p0 s5, $0x0  }
0x1f: {  	s9 =	smul.u32 $0xF7A, s1;
	s8 =	simm.s32 @!p0 $0x1BF5;
	p2 =	por !p2, p0  }
0x20: {  	[sflag:s8] =	ssyncset.s32 @!p0 $0xFFFFF086;
	s6 =	sadd.s32 @!p0 s3, s7;
	s7 =	simm.s32 @!p0 $0x108  }
0x21: {  	s3 =	sadd.s32 s3, s9;
	s6 =	sadd.s32 @!p0 $0x88, s6;
	s7 =	simm.s32 @p2 $0x1082  }
0x22: {  	[simem:s7], [sflag:s8] =	dma.local @!p0 [hbm:s6], $0xF7A  }
0x23: {  	s9 =	sor.u32 $0xD0000000, s2;
	s6 =	simm.s32 $0x108;
	_ =	swait.ge @!p0 [sflag:s8], $0x0  }
0x24: {  	s3 =	sadd.s32 $0x88, s3;
	s6 =	simm.s32 @!p1 $0x1082;
	[sflag:s4] =	ssyncset.s32 $0xFFFFF086  }
0x25: {  	[simem:s6], [sflag:s4] =	dma.local [hbm:s3], $0xF7A  }
0x26: {  	[smem:$0x3F94] =	sst s1;
	(tag) =	ssettag s2;
	_ =	strace s9  }
0x27: {  	s1 =	sld [smem:$0x3FA4]  }
0x28: {  	s2 =	sld [smem:$0x3FA5]  }
0x29: {  	s4 =	sld [smem:$0x3FA7]  }
0x2a: {  	p0 =	seq.s32 s5, $0x0;
	s5 =	sld [smem:$0x3FA8]  }
0x2b: {  	s6 =	sld [smem:$0x3FA9]  }
0x2c: {  	s7 =	sld [smem:$0x3FAA]  }
0x2d: {  	s3 =	simm.s32 $0x108;
	s8 =	sld [smem:$0x3FAB]  }
0x2e: {  	s3 =	simm.s32 @!p0 $0x1082;
	s9 =	sld [smem:$0x3FAC]  }
0x2f: {  	lr =	sadd.s32 s0, s3;
	s0 =	sld [smem:$0x3FA3]  }
0x30: {  	s3 =	sld [smem:$0x3FA6]  }
0x31: {  	[smem:$0x3FAF] =	sst s10  }
0x32: {  	s10 =	sld [smem:$0x3FAD];
	_ =	sdelay $0x3  }
0x33: {  	p0 =	seq.s32 s10, $0x1;
	s10 =	sld [smem:$0x3FAF];
	_ =	sdelay $0x3  }
0x34: {  	[smem:$0x3FAF] =	sst s10  }
0x35: {  	s10 =	sld [smem:$0x3FAE];
	_ =	sdelay $0x3  }
0x36: {  	p1 =	seq.s32 s10, $0x1;
	s10 =	sld [smem:$0x3FAF];
	_ =	sdelay $0x3  }
0x37: {  	[smem:$0x3FAF] =	sst s10  }
0x38: {  	s10 =	sld [smem:$0x3FB0]  }
0x39: {  	_ = 	snop;
	(pc) =	sbr.ind lr, $3  }
0x3a: {  	_ = 	snop  }
0x3b: {  	_ = 	snop  }
0x3c: {  	p2 =	seq.s32 s10, $0x1;
	s10 =	sld [smem:$0x3FAF]  }
0x3d: {  	_ =	shalt  }
0x3e: {  	_ =	shalt  }
0x3f: {  	_ =	shalt  }
0x40: {  	_ =	shalt  }
0x41: {  	_ =	shalt  }
0x42: {  	_ =	shalt  }
0x43: {  	_ =	shalt  }
0x44: {  	_ =	shalt  }
0x45: {  	_ =	shalt  }
0x46: {  	_ =	shalt  }
0x47: {  	_ =	shalt  }
0x48: {  	_ =	shalt  }
0x49: {  	_ =	shalt  }
0x4a: {  	_ =	shalt  }
0x4b: {  	_ =	shalt  }
0x4c: {  	_ =	shalt  }
0x4d: {  	_ =	shalt  }
0x4e: {  	_ =	shalt  }
0x4f: {  	_ =	shalt  }
0x50: {  	_ =	shalt  }
0x51: {  	_ =	shalt  }
0x52: {  	_ =	shalt  }
0x53: {  	_ =	shalt  }
0x54: {  	_ =	shalt  }
0x55: {  	_ =	shalt  }
0x56: {  	_ =	shalt  }
0x57: {  	_ =	shalt  }
0x58: {  	_ =	shalt  }
0x59: {  	_ =	shalt  }
0x5a: {  	_ =	shalt  }
0x5b: {  	_ =	shalt  }
0x5c: {  	_ =	shalt  }
0x5d: {  	_ =	shalt  }
0x5e: {  	_ =	shalt  }
0x5f: {  	_ =	shalt  }
0x60: {  	_ =	shalt  }
0x61: {  	_ =	shalt  }
0x62: {  	_ =	shalt  }
0x63: {  	_ =	shalt  }
0x64: {  	_ =	shalt  }
0x65: {  	_ =	shalt  }
0x66: {  	_ =	shalt  }
0x67: {  	_ =	shalt  }
0x68: {  	_ =	shalt  }
0x69: {  	_ =	shalt  }
0x6a: {  	_ =	shalt  }
0x6b: {  	_ =	shalt  }
0x6c: {  	_ =	shalt  }
0x6d: {  	_ =	shalt  }
0x6e: {  	_ =	shalt  }
0x6f: {  	_ =	shalt  }
0x70: {  	_ =	shalt  }
0x71: {  	_ =	shalt  }
0x72: {  	_ =	shalt  }
0x73: {  	_ =	shalt  }
0x74: {  	_ =	shalt  }
0x75: {  	_ =	shalt  }
0x76: {  	_ =	shalt  }
0x77: {  	_ =	shalt  }
0x78: {  	_ =	shalt  }
0x79: {  	_ =	shalt  }
0x7a: {  	_ =	shalt  }
0x7b: {  	_ =	shalt  }
0x7c: {  	_ =	shalt  }
0x7d: {  	_ =	shalt  }
0x7e: {  	_ =	shalt  }
0x7f: {  	_ =	shalt  }
0x80: {  	_ =	shalt  }
0x81: {  	_ =	shalt  }
0x82: {  	_ =	shalt  }
0x83: {  	_ =	shalt  }
0x84: {  	_ =	shalt  }
0x85: {  	_ =	shalt  }
0x86: {  	_ =	shalt  }
0x87: {  	_ =	shalt  }
.Lfunc_end0:
.L_simem_size_0:
called_computation_lowered:
.L_overlay_start_0:
0x88: {  	s2 =	sld [smem:$0x3FD9]  }
0x89: {  	s3 =	sld [smem:$0x3FFE];
	_ =	sdelay $0x1  }
0x8a: {  	s1 =	srdreg.scid  }
0x8b: {  	s0 =	sand.u32 $0x1, s1  }
0x8c: {  	s16 =	sshll.u32 s0, $0xA;
	s2 =	sadd.s32 s3, s2  }
0x8d: {  	s2 =	sadd.s32 s2, s16  }
0x8e: {  	[smem:$0x3FBB] =	sst s2  }
0x8f: {  	_ = 	snop  }
0x90: {  	(tm) =	ssettm $0x1  }
0x91: {  	s17 =	sld [smem:$0x3FFB];
	_ =	sdelay $0x3  }
0x92: {  	_ =	strace s17  }
0x93: {  	s2 =	sld [smem:$0x3FFC];
	_ =	sdelay $0x3  }
0x94: {  	_ =	strace s2  }
0x95: {  	s2 =	sld [smem:$0x3FFD];
	_ =	sdelay $0x3  }
0x96: {  	_ =	strace s2  }
0x97: {  	_ =	strace $0x8FFFFFFF  }
0x98: {  	s18 =	sld [smem:$0x3FDB];
	_ =	sdelay $0x1  }
0x99: {  	s19 =	simm.s32 $_scs_section_size  }
0x9a: {  	s4 =	simm.s32 $_size__tile_overlayer_lowered;
	s5 =	simm.s32 $_tile_overlayer_lowered  }
0x9b: {  	s22 =	simm.s32 $0x1BFF;
	s21 =	sshll.u32 s5, $0x1;
	s2 =	sadd.s32 s19, s18  }
0x9c: {  	s6 =	simm.s32 $0x0;
	s20 =	sshll.u32 s4, $0x1;
	s4 =	sadd.s32 s21, s2  }
0x9d: {  	[timem:s6], [sflag:s22] =	dma.local [hbm:s4], s20  }
0x9e: {  	_ =	swait.ge [sflag:s22], s20  }
0x9f: {  	s3 =	ssub.s32 $0x0, s20;
	[sflag:s22] =	ssyncset.done $0x0  }
0xa0: {  	[sflag:s22] =	ssyncadd.s32 s3;
	_ =	sdelay $0x1  }
0xa1: {  	s23 =	simm.s32 $0x1B8B  }
0xa2: {  	_ =	swait.ge [sflag:s23], $0x1  }
0xa3: {  	[sflag:s23] =	ssyncset.done $0x0  }
0xa4: {  	s25 =	simm.s32 $0x1B8E;
	s24 =	sld [smem:$0x3FFE];
	[sflag:s23] =	ssyncadd.s32 $0xFFFFFFFF  }
0xa5: {  	s26 =	simm.s32 $execute0_lowered;
	[smem:$0x3FD2] =	sst s25  }
0xa6: {  	s4 =	sshll.u32 s26, $0x1;
	_ =	strace $0x80000046;
	[dreg:$0x1] =	wrdreg $0xFFFFFFFF  }
0xa7: {  	s28 =	simm.s32 $_size_execute0_lowered;
	s2 =	sadd.s32 s2, s4;
	[dreg:$0x0] =	wrdreg $0x0  }
0xa8: {  	s4 =	sshll.u32 s28, $0x1;
	[dreg:$0x2] =	wrdreg s2  }
0xa9: {  	[dreg:$0x3] =	wrdreg s4  }
0xaa: {  	[dreg:$0x4] =	wrdreg $0xC0  }
0xab: {  	_ =	task [dreg:s6], $0x5FFFF  }
0xac: {  	[dreg:$0x1] =	wrdreg $0xFFFFFFFF  }
0xad: {  	[dreg:$0x0] =	wrdreg $0x60  }
0xae: {  	[dreg:$0x2] =	wrdreg s24  }
0xaf: {  	[dreg:$0x3] =	wrdreg $0x81000  }
0xb0: {  	[dreg:$0x4] =	wrdreg $0x9  }
0xb1: {  	_ =	task.clear_ibuf [dreg:s6], $0x5FFFF;
	_ =	strace $0x90000046  }
0xb2: {  	s29 =	simm.s32 $0x9;
	_ =	strace $0x80000048  }
0xb3: {  	_ =	swait.ge [sflag:s29], $0x1  }
0xb4: {  	[sflag:s29] =	ssyncadd.s32 $0xFFFFFFFF  }
0xb5: {  	_ =	strace $0x90000048  }
0xb6: {  	_ =	sfence  }
0xb7: {  	s30 =	sld [smem:$0x0];
	_ =	sdelay $0x2  }
0xb8: {  	s31 =	sshll.u32 s1, $0xD;
	s1 =	sshrl.u32 s1, $0x2  }
0xb9: {  	s3 =	sand.u32 $0x4000, s31;
	s1 =	sadd.s32 s1, s30  }
0xba: {  	s0 =	sor.u32 s3, s0;
	s1 =	sshll.u32 s1, $0x11  }
0xbb: {  	s0 =	sor.u32 s1, s0  }
0xbc: {  	s0 =	sadd.s32 $0x8F2B, s0  }
0xbd: {  	[sflag:s0] =	ssyncadd.remote.s32 $0x1  }
0xbe: {  	_ =	sfence.sel $0xFFFF  }
0xbf: {  	[dreg:$0x0] =	wrdreg $0xFFFFFFFF;
	(pc) =	sbr.abs _section_cstart, $3  }
0xc0: {  	[dreg:$0x1] =	wrdreg $0xFFFFFFFF  }
0xc1: {  	_ =	task.clear_ibuf [dreg:s6], $0x2FFFF;
	_ =	strace $0x9FFFFFFF  }
0xc2: {  	(tm) =	ssettm $0x7FFFFFFF  }
0xc3: {  	_ =	shalt  }
tec
execute0_lowered:
.L_overlay_start_1:
0x0: {  	(tag) =	ssettag $0x1  }
0x1: {  	s0 =	rddreg [dreg:$0x0]  }
0x2: {  	s1 =	rddreg [dreg:$0x1]  }
0x3: {  	s2 =	simm.s32 $0x0;
	s4 =	srdreg.scid;
	s18 =	simm.s32 $0x80  }
0x4: {  	s19 =	simm.s32 $0x100;
	s20 =	simm.s32 $0x1;
	s21 =	simm.s32 $0x4100  }
0x5: {  	s22 =	simm.s32 $0x6100;
	s23 =	simm.s32 $0x40;
	s24 =	simm.s32 $0x2  }
0x6: {  	s25 =	simm.s32 $0x0;
	[smem:$0x7FF] =	sst s2;
	s10 =	sand.u32 $0x1, s4  }
0x7: {  	s3 =	sadd.s32 $0x3F000, s0;
	s4 =	stileid.u32;
	s11 =	smul.u32 $0x27100, s10  }
0x8: {  	s5 =	sadd.s32 $0x534A00, s0;
	s6 =	sadd.s32 $0x521000, s0;
	s12 =	smul.u32 $0x4F000, s4  }
0x9: {  	s7 =	sadd.s32 $0x4000, s0;
	s9 =	sadd.s32 $0xA16A00, s0;
	s14 =	smul.u32 $0x2780, s4  }
0xa: {  	s8 =	sadd.s32 $0x8D200, s0;
	s0 =	sadd.s32 $0x8FA00, s0;
	s16 =	smul.u32 $0x138800, s10  }
0xb: {  	_ =	strace $0x80000047;
	s13 =	ssub.s32 $0x2, s10;
	s10 =	smul.u32 $0x9C4, s10  }
0xc: {  	p0 =	seq.s32 s4, $0xF;
	s15 =	sshrl.u32 s13, $0x1;
	s12 =	sshrl.u32 s12, $0x2  }
.Ltmp0:
0xd: {  	s13 =	ssub.s32 s13, s15;
	s15 =	sadd.s32 $0x128400, s1;
	(pc) =	sbr.rel .LBB2_1-.Ltmp0, $4  }
0xe: {  	s11 =	sadd.s32 s14, s11;
	s31 =	sshrl.u32 s16, $0x3;
	s17 =	sadd.s32 s12, s1  }
0xf: {  	s11 =	sadd.s32 s0, s11;
	s0 =	sadd.s32 s0, s31;
	s13 =	smax.u32 s13, $0x1  }
0x10: {  	s14 =	sshrl.u32 @p0 s15, $0x3;
	s12 =	sadd.s32 $0x25080, s0;
	s0 =	sshll.u32 @!p0 s4, $0x6  }
0x11: {  	s16 =	sshrl.u32 @!p0 s17, $0x3;
	s17 =	simm.s32 $0x3;
	s15 =	sor.u32 @!p0 $0x1C02, s0  }
.LBB2_7:
0x12: {  	[bflag:$0x0] =	sbarrier.arrive $0xFFFF;
	s0 =	simm.s32 @p0 $0x1FC2  }
0x13: {  	[hbm:s12], [sflag:s0] =	dma.local @p0 [spmem:s14], $0x2080  }
0x14: {  	s0 =	simm.s32 @p0 $0x2  }
0x15: {  	s25 =	sadd.s32 $0x1, s25;
	_ =	swait.ge @p0 [sflag:s0], $0x2080  }
0x16: {  	p1 =	sne.s32 s25, s13;
	[sflag:s0] =	ssyncset.done @p0 $0x0  }
.Ltmp1:
0x17: {  	[sflag:s0] =	ssyncadd.s32 @p0 $0xFFFFDF80;
	s0 =	simm.s32 @!p0 $0x2;
	(pc) =	sbr.rel @!p1 .LBB2_8-.Ltmp1, $4  }
0x18: {  	[hbm:s11], [sflag:s15] =	dma.local @!p0 [spmem:s16], $0x2780  }
0x19: {  	_ =	swait.ge @!p0 [sflag:s0], $0x2780  }
0x1a: {  	[sflag:s0] =	ssyncset.done @!p0 $0x0  }
0x1b: {  	[sflag:s0] =	ssyncadd.s32 @!p0 $0xFFFFD880  }
.LBB2_1:
0x1c: {  	s0 =	simm.s32 @p0 $0x1FC2  }
0x1d: {  	[spmem:s14], [sflag:s0] =	dma.local @p0 [hbm:s8], $0x2080  }
0x1e: {  	s0 =	simm.s32 @p0 $0x2  }
0x1f: {  	_ =	swait.ge @p0 [sflag:s0], $0x2080  }
0x20: {  	[sflag:s0] =	ssyncset.done @p0 $0x0  }
0x21: {  	[sflag:s0] =	ssyncadd.s32 @p0 $0xFFFFDF80;
	s0 =	simm.s32 @!p0 $0x2  }
0x22: {  	[spmem:s16], [sflag:s15] =	dma.local @!p0 [hbm:s8], $0x2780  }
.Ltmp2:
0x23: {  	_ =	swait.ge @!p0 [sflag:s0], $0x2780;
	(pc) =	sbr.rel .LBB2_2-.Ltmp2, $4  }
0x24: {  	[sflag:s0] =	ssyncset.done @!p0 $0x0  }
0x25: {  	[sflag:s0] =	ssyncadd.s32 @!p0 $0xFFFFD880  }
0x26: {  	[bflag:$0x0] =	sbarrier.arrive $0xFFFF  }
0x27: {  	s26 =	simm.s32 $0x0  }
.LBB2_6:
0x28: {  	s26 =	sadd.s32 $0x1, s26  }
0x29: {  	p1 =	sne.s32 s26, $0x9D  }
.Ltmp3:
0x2a: {  	_ = 	snop;
	(pc) =	sbr.rel @!p1 .LBB2_7-.Ltmp3, $1  }
0x2b: {  	_ =	sdelay $0x3  }
.LBB2_2:
0x2c: {  	s0 =	sshll.u32 s26, $0x4  }
0x2d: {  	s0 =	sor.u32 s4, s0  }
0x2e: {  	p1 =	sgt.u32 s0, $0x9C3  }
.Ltmp4:
0x2f: {  	_ = 	snop;
	(pc) =	sbr.rel @p1 .LBB2_6-.Ltmp4, $1  }
0x30: {  	_ =	sdelay $0x3  }
0x31: {  	s0 =	sadd.s32 s10, s0  }
0x32: {  	s28 =	sshll.u32 s0, $0x4  }
0x33: {  	s29 =	simm.s32 $0x0;
	s28 =	sadd.s32 s6, s28  }
0x34: {  	[tilespmem:s29], [sflag:$0x3] =	stream.linear.gather [hbm4b:s28+s29], $0x80, $0x38;
	[tilespmem:$0x1B980] =	vst v63  }
0x35: {  	_ =	swait.ge [sflag:s17], $0x80  }
0x36: {  	s28 =	sshll.u32 s0, $0x3;
	[sflag:s17] =	ssyncset.done $0x0  }
0x37: {  	s28 =	sadd.s32 s7, s28;
	[sflag:s17] =	ssyncadd.s32 $0xFFFFFF80  }
0x38: {  	[tilespmem:s18], [sflag:$0x3] =	stream.linear.gather [hbm4b:s28+s29], $0x40, $0x38;
	[tilespmem:$0x1B980] =	vst v63  }
0x39: {  	_ =	swait.ge [sflag:s17], $0x40  }
0x3a: {  	[sflag:s17] =	ssyncset.done $0x0  }
0x3b: {  	[sflag:s17] =	ssyncadd.s32 $0xFFFFFFC0  }
0x3c: {  	[tilespmem:s19], [sflag:$0x1] =	stream.indirect.gather [hbm4b:s3+s18], $0x80, s29, s18, $0xb8;
	[tilespmem:$0x1B980] =	vst v63  }
0x3d: {  	_ =	swait.ge [sflag:s20], $0x4000  }
0x3e: {  	s28 =	sshll.u32 s0, $0xA;
	[sflag:s20] =	ssyncset.done $0x0  }
0x3f: {  	s0 =	sadd.s32 s5, s28;
	[sflag:s20] =	ssyncadd.s32 $0xFFFFC000  }
0x40: {  	[tilespmem:s21], [sflag:$0x3] =	stream.linear.gather [hbm4b:s0+s29], $0x2000, $0x38;
	[tilespmem:$0x1B980] =	vst v63  }
0x41: {  	_ =	swait.ge [sflag:s17], $0x2000  }
0x42: {  	[sflag:s17] =	ssyncset.done $0x0  }
0x43: {  	s30 =	simm.s32 $0x0;
	[sflag:s17] =	ssyncadd.s32 $0xFFFFE000  }
0x44: {  	v0 =	vld [tilespmem:s30+$0x170]  }
0x45: {  	v1 =	vld [tilespmem:s30+$0x2170]  }
0x46: {  	v2 =	vld [tilespmem:s30+$0x100]  }
0x47: {  	v3 =	vld [tilespmem:s30+$0x4170]  }
0x48: {  	v4 =	vld [tilespmem:s30+$0x2100]  }
0x49: {  	v5 =	vld [tilespmem:s30+$0x110]  }
0x4a: {  	v6 =	vld [tilespmem:s30+$0x2110];
	v0 =	vadd.f32 v1, v0  }
0x4b: {  	v7 =	vld [tilespmem:s30+$0x2120]  }
0x4c: {  	v8 =	vld [tilespmem:s30+$0x2130];
	v0 =	vadd.f32 v3, v0  }
0x4d: {  	v10 =	vld [tilespmem:s30+$0x140]  }
0x4e: {  	v11 =	vld [tilespmem:s30+$0x2140];
	v9 =	vmul.f32 $2.000000030e-01, v0  }
0x4f: {  	v12 =	vld [tilespmem:s30+$0x2150];
	vm0 =	vge.f32 v0, $0.0e+00  }
0x50: {  	v13 =	vld [tilespmem:s30+$0x160];
	v0 =	vsel vm0, v0, v9  }
0x51: {  	v14 =	vld [tilespmem:s30+$0x4100];
	v0 =	vmul.f32 $1.442695020e+00, v0  }
0x52: {  	v15 =	vld [tilespmem:s30+$0x4110]  }
0x53: {  	v16 =	vld [tilespmem:s30+$0x4120];
	(erf) = vpow2.f32 v0  }
0x54: {  	v17 =	vld [tilespmem:s30+$0x4130]  }
0x55: {  	v18 =	vld [tilespmem:s30+$0x4140]  }
0x56: {  	v19 =	vld [tilespmem:s30+$0x4150]  }
0x57: {  	s29 =	simm.s32 $0x80;
	v20 =	vld [tilespmem:s30+$0x4160]  }
0x58: {  	v21 =	vld [tilespmem:s29+$0x170]  }
0x59: {  	v1 =	vld [tilespmem:s30+$0x120]  }
0x5a: {  	v3 =	vld [tilespmem:s30+$0x130]  }
0x5b: {  	v23 =	vld [tilespmem:s29+$0x2170];
	v2 =	vadd.f32 v4, v2;
	v4 =	vadd.f32 v6, v5  }
0x5c: {  	v9 =	vld [tilespmem:s30+$0x150];
	v22 =	vpop (erf)  }
0x5d: {  	v4 =	vadd.f32 v15, v4;
	v0 =	vld [tilespmem:s30+$0x2160];
	[tilespmem:s30+$0x6170] =	vst v22  }
0x5e: {  	v2 =	vadd.f32 v14, v2;
	v1 =	vadd.f32 v7, v1;
	v5 =	vld [tilespmem:s29+$0x100]  }
0x5f: {  	v15 =	vmul.f32 $2.000000030e-01, v4;
	v7 =	vadd.f32 v11, v10;
	v3 =	vadd.f32 v8, v3;
	v6 =	vld [tilespmem:s29+$0x4170]  }
0x60: {  	vm1 =	vge.f32 v4, $0.0e+00;
	vm0 =	vge.f32 v2, $0.0e+00;
	v1 =	vadd.f32 v16, v1;
	v8 =	vld [tilespmem:s29+$0x2100]  }
0x61: {  	v4 =	vsel vm1, v4, v15;
	v7 =	vadd.f32 v18, v7;
	v3 =	vadd.f32 v17, v3;
	v10 =	vld [tilespmem:s29+$0x110]  }
0x62: {  	v4 =	vmul.f32 $1.442695020e+00, v4;
	v0 =	vadd.f32 v0, v13;
	v13 =	vadd.f32 v23, v21;
	v11 =	vld [tilespmem:s29+$0x2110]  }
0x63: {  	vm2 =	vge.f32 v1, $0.0e+00;
	v55 =	vmul.f32 $2.000000030e-01, v1;
	vm4 =	vge.f32 v7, $0.0e+00;
	v14 =	vld [tilespmem:s29+$0x120]  }
0x64: {  	v9 =	vadd.f32 v12, v9;
	v12 =	vmul.f32 $2.000000030e-01, v2;
	v54 =	vld [tilespmem:s29+$0x2120];
	v6 =	vadd.f32 v6, v13  }
0x65: {  	v59 =	vmul.f32 $2.000000030e-01, v7;
	vm3 =	vge.f32 v3, $0.0e+00;
	v56 =	vmul.f32 $2.000000030e-01, v3;
	v57 =	vld [tilespmem:s29+$0x2130]  }
0x66: {  	v1 =	vsel vm2, v1, v55;
	v2 =	vsel vm0, v2, v12;
	v58 =	vld [tilespmem:s29+$0x140];
	v12 =	vmul.f32 $2.000000030e-01, v6  }
0x67: {  	v7 =	vsel vm4, v7, v59;
	v1 =	vmul.f32 $1.442695020e+00, v1;
	v15 =	vld [tilespmem:s29+$0x2140];
	vm0 =	vge.f32 v6, $0.0e+00  }
0x68: {  	v7 =	vmul.f32 $1.442695020e+00, v7;
	v2 =	vmul.f32 $1.442695020e+00, v2;
	v22 =	vld [tilespmem:s29+$0x150];
	v6 =	vsel vm0, v6, v12  }
0x69: {  	v9 =	vadd.f32 v19, v9;
	v3 =	vsel vm3, v3, v56;
	v60 =	vld [tilespmem:s29+$0x2150];
	v6 =	vmul.f32 $1.442695020e+00, v6  }
0x6a: {  	v3 =	vmul.f32 $1.442695020e+00, v3;
	v0 =	vadd.f32 v20, v0;
	(erf) = vpow2.f32 v2;
	v2 =	vld [tilespmem:s29+$0x160]  }
0x6b: {  	v61 =	vld [tilespmem:s29+$0x2160];
	v12 =	vmul.f32 $2.000000030e-01, v9;
	(erf) = vpow2.f32 v6  }
0x6c: {  	v62 =	vld [tilespmem:s29+$0x4100];
	vm0 =	vge.f32 v9, $0.0e+00;
	v6 =	vmul.f32 $2.000000030e-01, v0;
	(erf) = vpow2.f32 v4  }
0x6d: {  	vm1 =	vge.f32 v0, $0.0e+00;
	v13 =	vld [tilespmem:s29+$0x130];
	v9 =	vsel vm0, v9, v12;
	(erf) = vpow2.f32 v1  }
0x6e: {  	v24 =	vld [tilespmem:s29+$0x4110];
	v4 =	vmul.f32 $1.442695020e+00, v9;
	v0 =	vsel vm1, v0, v6;
	(erf) = vpow2.f32 v3  }
0x6f: {  	v25 =	vld [tilespmem:s29+$0x4120];
	v63 =	vadd.f32 v8, v5;
	v0 =	vmul.f32 $1.442695020e+00, v0;
	(erf) = vpow2.f32 v7  }
0x70: {  	v10 =	vadd.f32 v11, v10;
	v12 =	vld [tilespmem:s29+$0x4130];
	(erf) = vpow2.f32 v4  }
0x71: {  	v14 =	vadd.f32 v54, v14;
	v11 =	vld [tilespmem:s29+$0x4140];
	v1 =	vadd.f32 v62, v63;
	(erf) = vpow2.f32 v0  }
0x72: {  	v5 =	vadd.f32 v15, v58;
	v8 =	vld [tilespmem:s29+$0x4150];
	v6 =	vadd.f32 v57, v13  }
0x73: {  	s31 =	simm.s32 $0x100;
	v15 =	vpop (erf);
	v3 =	vadd.f32 v60, v22;
	v7 =	vld [tilespmem:s29+$0x4160];
	vm0 =	vge.f32 v1, $0.0e+00;
	v0 =	vadd.f32 v24, v10  }
0x74: {  	s0 =	simm.s32 $0x600;
	v9 =	vld [tilespmem:s31+$0x170];
	[tilespmem:s30+$0x6100] =	vst v15;
	v4 =	vadd.f32 v61, v2;
	v2 =	vadd.f32 v25, v14;
	v10 =	vmul.f32 $2.000000030e-01, v1;
	v13 =	vpop (erf)  }
.LBB2_4:
0x75: {  	p1 =	sne.s32 s0, $0x7E00;
	v14 =	vld [tilespmem:s31+$0x2170];
	vm1 =	vge.f32 v0, $0.0e+00;
	v15 =	vmul.f32 $2.000000030e-01, v0;
	v6 =	vadd.f32 v12, v6;
	[tilespmem:s29+$0x6170] =	vst v13;
	v12 =	vpop (erf)  }
0x76: {  	v13 =	vld [tilespmem:s31+$0x100];
	vm2 =	vge.f32 v2, $0.0e+00;
	v16 =	vmul.f32 $2.000000030e-01, v2;
	v5 =	vadd.f32 v11, v5;
	[tilespmem:s30+$0x6110] =	vst v12;
	v11 =	vpop (erf)  }
0x77: {  	v12 =	vld [tilespmem:s31+$0x4170];
	vm3 =	vge.f32 v6, $0.0e+00;
	v17 =	vmul.f32 $2.000000030e-01, v6;
	v3 =	vadd.f32 v8, v3;
	[tilespmem:s30+$0x6120] =	vst v11;
	v8 =	vpop (erf)  }
0x78: {  	v11 =	vld [tilespmem:s31+$0x2100];
	vm4 =	vge.f32 v5, $0.0e+00;
	v18 =	vmul.f32 $2.000000030e-01, v5;
	v4 =	vadd.f32 v7, v4;
	[tilespmem:s30+$0x6130] =	vst v8;
	v7 =	vpop (erf)  }
0x79: {  	v1 =	vsel vm0, v1, v10;
	v8 =	vld [tilespmem:s31+$0x110];
	vm0 =	vge.f32 v3, $0.0e+00;
	v10 =	vmul.f32 $2.000000030e-01, v3;
	[tilespmem:s30+$0x6140] =	vst v7;
	v7 =	vpop (erf)  }
0x7a: {  	v19 =	vld [tilespmem:s31+$0x2110];
	v9 =	vadd.f32 v14, v9;
	vm5 =	vge.f32 v4, $0.0e+00;
	v14 =	vmul.f32 $2.000000030e-01, v4;
	[tilespmem:s30+$0x6150] =	vst v7;
	v7 =	vpop (erf)  }
0x7b: {  	v0 =	vsel vm1, v0, v15;
	v2 =	vsel vm2, v2, v16;
	v6 =	vsel vm3, v6, v17;
	v20 =	vld [tilespmem:s31+$0x120];
	[tilespmem:s30+$0x6160] =	vst v7;
	s30 =	smov.u32 s29;
	s29 =	smov.u32 s31  }
0x7c: {  	v5 =	vsel vm4, v5, v18;
	v3 =	vsel vm0, v3, v10;
	v7 =	vld [tilespmem:s29+$0x2120];
	v9 =	vadd.f32 v12, v9  }
0x7d: {  	v1 =	vmul.f32 $1.442695020e+00, v1;
	v4 =	vsel vm5, v4, v14;
	v10 =	vadd.f32 v11, v13;
	v11 =	vld [tilespmem:s29+$0x130]  }
0x7e: {  	v0 =	vmul.f32 $1.442695020e+00, v0;
	v12 =	vld [tilespmem:s29+$0x2130];
	v13 =	vmul.f32 $2.000000030e-01, v9  }
0x7f: {  	v2 =	vmul.f32 $1.442695020e+00, v2;
	vm0 =	vge.f32 v9, $0.0e+00;
	v14 =	vadd.f32 v19, v8;
	v8 =	vld [tilespmem:s29+$0x140]  }
0x80: {  	v16 =	vmul.f32 $1.442695020e+00, v5;
	v15 =	vld [tilespmem:s29+$0x2140];
	v9 =	vsel vm0, v9, v13;
	v13 =	vmul.f32 $1.442695020e+00, v6  }
0x81: {  	v17 =	vadd.f32 v7, v20;
	v7 =	vld [tilespmem:s29+$0x150];
	v5 =	vmul.f32 $1.442695020e+00, v9;
	v9 =	vmul.f32 $1.442695020e+00, v3  }
0x82: {  	v18 =	vmul.f32 $1.442695020e+00, v4;
	v3 =	vld [tilespmem:s29+$0x2150];
	(erf) = vpow2.f32 v1  }
0x83: {  	v6 =	vadd.f32 v12, v11;
	v1 =	vld [tilespmem:s29+$0x160];
	(erf) = vpow2.f32 v5  }
0x84: {  	v4 =	vld [tilespmem:s29+$0x2160];
	(erf) = vpow2.f32 v0  }
0x85: {  	v0 =	vld [tilespmem:s29+$0x4100];
	v5 =	vadd.f32 v15, v8;
	(erf) = vpow2.f32 v2  }
0x86: {  	v2 =	vld [tilespmem:s29+$0x4110];
	(erf) = vpow2.f32 v13  }
0x87: {  	v13 =	vld [tilespmem:s29+$0x4120];
	v3 =	vadd.f32 v3, v7;
	(erf) = vpow2.f32 v16  }
.Ltmp5:
0x88: {  	v12 =	vld [tilespmem:s29+$0x4130];
	(erf) = vpow2.f32 v9;
	(pc) =	sbr.rel @p1 .LBB2_4-.Ltmp5, $4  }
0x89: {  	v11 =	vld [tilespmem:s29+$0x4140];
	v4 =	vadd.f32 v4, v1;
	(erf) = vpow2.f32 v18  }
0x8a: {  	v1 =	vadd.f32 v0, v10;
	v8 =	vld [tilespmem:s29+$0x4150]  }
0x8b: {  	s31 =	sshra.s32 s0, $0x2;
	v0 =	vadd.f32 v2, v14;
	v7 =	vld [tilespmem:s29+$0x4160];
	v14 =	vpop (erf)  }
0x8c: {  	s0 =	sadd.s32 $0x200, s0;
	v9 =	vld [tilespmem:s31+$0x170];
	vm0 =	vge.f32 v1, $0.0e+00;
	v10 =	vmul.f32 $2.000000030e-01, v1;
	v2 =	vadd.f32 v13, v17;
	v13 =	vpop (erf);
	[tilespmem:s30+$0x6100] =	vst v14  }
0x8d: {  	v14 =	vld [tilespmem:s31+$0x2170];
	[tilespmem:s29+$0x6170] =	vst v13;
	v49 =	vpop (erf)  }
0x8e: {  	v15 =	vld [tilespmem:s31+$0x100];
	[tilespmem:s30+$0x6110] =	vst v49;
	v50 =	vpop (erf)  }
0x8f: {  	v16 =	vld [tilespmem:s31+$0x4170];
	[tilespmem:s30+$0x6120] =	vst v50;
	v51 =	vpop (erf)  }
0x90: {  	v17 =	vld [tilespmem:s31+$0x2100];
	[tilespmem:s30+$0x6130] =	vst v51;
	v52 =	vpop (erf)  }
0x91: {  	v18 =	vld [tilespmem:s31+$0x110];
	[tilespmem:s30+$0x6140] =	vst v52;
	v53 =	vpop (erf)  }
0x92: {  	v19 =	vld [tilespmem:s31+$0x2110];
	[tilespmem:s30+$0x6150] =	vst v53;
	v54 =	vpop (erf)  }
0x93: {  	v13 =	vld [tilespmem:s31+$0x120];
	[tilespmem:s30+$0x6160] =	vst v54  }
0x94: {  	vm1 =	vge.f32 v0, $0.0e+00;
	v6 =	vadd.f32 v12, v6;
	v12 =	vld [tilespmem:s31+$0x2120]  }
0x95: {  	v20 =	vmul.f32 $2.000000030e-01, v0;
	vm2 =	vge.f32 v2, $0.0e+00;
	v5 =	vadd.f32 v11, v5;
	v57 =	vld [tilespmem:s31+$0x130]  }
0x96: {  	v55 =	vmul.f32 $2.000000030e-01, v2;
	v1 =	vsel vm0, v1, v10;
	vm3 =	vge.f32 v6, $0.0e+00;
	v59 =	vld [tilespmem:s31+$0x2130]  }
0x97: {  	v56 =	vmul.f32 $2.000000030e-01, v6;
	v3 =	vadd.f32 v8, v3;
	v0 =	vsel vm1, v0, v20;
	v61 =	vld [tilespmem:s31+$0x140]  }
0x98: {  	v1 =	vmul.f32 $1.442695020e+00, v1;
	vm4 =	vge.f32 v5, $0.0e+00;
	v21 =	vmul.f32 $2.000000030e-01, v5;
	v63 =	vld [tilespmem:s31+$0x2140]  }
0x99: {  	v4 =	vadd.f32 v7, v4;
	v2 =	vsel vm2, v2, v55;
	v0 =	vmul.f32 $1.442695020e+00, v0;
	v24 =	vld [tilespmem:s31+$0x150]  }
0x9a: {  	vm7 =	vge.f32 v3, $0.0e+00;
	v60 =	vmul.f32 $2.000000030e-01, v3;
	v9 =	vadd.f32 v14, v9;
	v26 =	vld [tilespmem:s31+$0x2150]  }
0x9b: {  	v6 =	vsel vm3, v6, v56;
	v2 =	vmul.f32 $1.442695020e+00, v2;
	(erf) = vpow2.f32 v1;
	v27 =	vld [tilespmem:s31+$0x160]  }
0x9c: {  	v5 =	vsel vm4, v5, v21;
	v25 =	vmul.f32 $2.000000030e-01, v4;
	v58 =	vadd.f32 v16, v9;
	v29 =	vld [tilespmem:s31+$0x4100]  }
0x9d: {  	vm9 =	vge.f32 v4, $0.0e+00;
	v6 =	vmul.f32 $1.442695020e+00, v6;
	v3 =	vsel vm7, v3, v60;
	v28 =	vld [tilespmem:s31+$0x2160]  }
0x9e: {  	v5 =	vmul.f32 $1.442695020e+00, v5;
	v4 =	vsel vm9, v4, v25;
	v30 =	vld [tilespmem:s31+$0x4110];
	v62 =	vmul.f32 $2.000000030e-01, v58  }
0x9f: {  	v3 =	vmul.f32 $1.442695020e+00, v3;
	v37 =	vld [tilespmem:s31+$0x4150];
	v15 =	vadd.f32 v17, v15;
	vm8 =	vge.f32 v58, $0.0e+00  }
0xa0: {  	v38 =	vld [tilespmem:s31+$0x4160];
	v31 =	vadd.f32 v19, v18;
	v7 =	vsel vm8, v58, v62;
	v12 =	vadd.f32 v12, v13  }
0xa1: {  	v32 =	vld [tilespmem:s31+$0x4120];
	v7 =	vmul.f32 $1.442695020e+00, v7;
	v8 =	vadd.f32 v59, v57;
	v36 =	vadd.f32 v29, v15  }
0xa2: {  	v4 =	vmul.f32 $1.442695020e+00, v4;
	v34 =	vadd.f32 v63, v61;
	v11 =	vadd.f32 v26, v24  }
0xa3: {  	v33 =	vld [tilespmem:s31+$0x4130];
	v1 =	vadd.f32 v28, v27;
	(erf) = vpow2.f32 v7;
	vm10 =	vge.f32 v36, $0.0e+00  }
0xa4: {  	v39 =	vmul.f32 $2.000000030e-01, v36;
	v7 =	vadd.f32 v37, v11;
	(erf) = vpow2.f32 v0  }
0xa5: {  	v35 =	vld [tilespmem:s31+$0x4140];
	v1 =	vadd.f32 v38, v1;
	v0 =	vadd.f32 v30, v31;
	(erf) = vpow2.f32 v2  }
0xa6: {  	v2 =	vadd.f32 v32, v12;
	vm15 =	vge.f32 v7, $0.0e+00;
	v44 =	vmul.f32 $2.000000030e-01, v7  }
0xa7: {  	vm5 =	vge.f32 v1, $0.0e+00;
	v45 =	vmul.f32 $2.000000030e-01, v1;
	(erf) = vpow2.f32 v6  }
0xa8: {  	vm11 =	vge.f32 v0, $0.0e+00;
	v40 =	vmul.f32 $2.000000030e-01, v0;
	v6 =	vadd.f32 v33, v8  }
0xa9: {  	(erf) = vpow2.f32 v5;
	vm12 =	vge.f32 v2, $0.0e+00;
	v41 =	vmul.f32 $2.000000030e-01, v2  }
0xaa: {  	v5 =	vadd.f32 v35, v34;
	(erf) = vpow2.f32 v3;
	vm13 =	vge.f32 v6, $0.0e+00  }
0xab: {  	v42 =	vmul.f32 $2.000000030e-01, v6;
	v3 =	vsel vm10, v36, v39;
	v0 =	vsel vm11, v0, v40  }
0xac: {  	(erf) = vpow2.f32 v4;
	vm14 =	vge.f32 v5, $0.0e+00;
	v3 =	vmul.f32 $1.442695020e+00, v3  }
0xad: {  	v43 =	vmul.f32 $2.000000030e-01, v5;
	v2 =	vsel vm12, v2, v41;
	v0 =	vmul.f32 $1.442695020e+00, v0  }
0xae: {  	v6 =	vsel vm13, v6, v42;
	v2 =	vmul.f32 $1.442695020e+00, v2;
	(erf) = vpow2.f32 v3  }
0xaf: {  	v46 =	vpop (erf);
	v5 =	vsel vm14, v5, v43;
	v6 =	vmul.f32 $1.442695020e+00, v6;
	(erf) = vpow2.f32 v0  }
0xb0: {  	[tilespmem:s29+$0x6100] =	vst v46;
	v48 =	vsel vm15, v7, v44;
	v47 =	vpop (erf);
	v49 =	vmul.f32 $1.442695020e+00, v5;
	(erf) = vpow2.f32 v2  }
0xb1: {  	v1 =	vsel vm5, v1, v45;
	v51 =	vmul.f32 $1.442695020e+00, v48;
	[tilespmem:s31+$0x6170] =	vst v47;
	v50 =	vpop (erf);
	(erf) = vpow2.f32 v6  }
0xb2: {  	v1 =	vmul.f32 $1.442695020e+00, v1;
	[tilespmem:s29+$0x6110] =	vst v50;
	v52 =	vpop (erf);
	(erf) = vpow2.f32 v49  }
0xb3: {  	[tilespmem:s29+$0x6120] =	vst v52;
	v53 =	vpop (erf);
	(erf) = vpow2.f32 v51  }
0xb4: {  	[tilespmem:s29+$0x6130] =	vst v53;
	v54 =	vpop (erf);
	(erf) = vpow2.f32 v1  }
0xb5: {  	v55 =	vpop (erf);
	[tilespmem:s29+$0x6140] =	vst v54  }
0xb6: {  	[tilespmem:s29+$0x6150] =	vst v55;
	v56 =	vpop (erf)  }
0xb7: {  	[tilespmem:s29+$0x6160] =	vst v56;
	v57 =	vpop (erf)  }
0xb8: {  	[tilespmem:s31+$0x6100] =	vst v57;
	v58 =	vpop (erf)  }
0xb9: {  	[tilespmem:s31+$0x6110] =	vst v58;
	v59 =	vpop (erf)  }
0xba: {  	[tilespmem:s31+$0x6120] =	vst v59;
	v60 =	vpop (erf)  }
0xbb: {  	[tilespmem:s31+$0x6130] =	vst v60;
	v61 =	vpop (erf)  }
0xbc: {  	[tilespmem:s31+$0x6140] =	vst v61;
	v62 =	vpop (erf)  }
0xbd: {  	[tilespmem:s31+$0x6150] =	vst v62;
	v63 =	vpop (erf)  }
0xbe: {  	s0 =	sadd.s32 s9, s28;
	[tilespmem:s31+$0x6160] =	vst v63  }
0xbf: {  	[hbm4b:s0+s2] =	stream.linear.scatter [tilespmem:s22], [sflag:$0x3], $0x2000, $0x38;
	[tilespmem:$0x1B980] =	vst v63  }
0xc0: {  	_ =	swait.ge [sflag:s17], $0x2000  }
0xc1: {  	[sflag:s17] =	ssyncset.done $0x0  }
.Ltmp6:
0xc2: {  	[sflag:s17] =	ssyncadd.s32 $0xFFFFE000;
	(pc) =	sbr.rel .LBB2_6-.Ltmp6, $4  }
0xc3: {  	[spmem:s1] =	stream.indirect.scatter.add.f32 [tilespmem:s22], [sflag:$0x2], $0x80, s18, s23, $0xb8;
	[tilespmem:$0x1B980] =	vst v63  }
0xc4: {  	_ =	swait.ge [sflag:s24], $0x2000  }
0xc5: {  	[sflag:s24] =	ssyncset.done $0x0  }
0xc6: {  	[sflag:s24] =	ssyncadd.s32 $0xFFFFE000  }
.LBB2_8:
0xc7: {  	_ =	sfence.sel $0x180000  }
0xc8: {  	[bflag:$0x0] =	sbarrier.arrive $0xFFFF  }
0xc9: {  	_ =	strace $0x90000047  }
0xca: {  	[bflag:$0x2] =	sbarrier.arrive $0xFFFF  }
0xcb: {  	p0 =	sne.s32 s4, $0x0;
	s0 =	rddreg [dreg:$0x2]  }
0xcc: {  	s0 =	sadd.s32 @!p0 $0x100000, s0  }
0xcd: {  	[sflag:s0] =	ssyncadd.tile.s32 @!p0 $0x1;
	_ =	shalt  }
.Lfunc_end2:
_tile_overlayer_lowered:
.L_overlay_start_2:
0xce: {  	(tag) =	ssettag $0x2  }
0xcf: {  	s0 =	rddreg [dreg:$0x0];
	s2 =	stileid.u32  }
0xd0: {  	s1 =	rddreg [dreg:$0x1];
	p0 =	sne.s32 s2, $0x0  }
0xd1: {  	s3 =	rddreg [dreg:$0x2];
	[bflag:$0x3] =	sbarrier.arrive $0xFFFF;
	s2 =	simm.s32 @!p0 $0x1C02  }
0xd2: {  	[timem:s3], [sflag:s2] =	dma.local @!p0 [hbm:s0], s1  }
0xd3: {  	s0 =	simm.s32 @!p0 $0x2  }
0xd4: {  	_ =	swait.ge @!p0 [sflag:s0], s1  }
0xd5: {  	s1 =	ssub.s32 @!p0 $0x0, s1;
	[sflag:s0] =	ssyncset.done @!p0 $0x0  }
0xd6: {  	[sflag:s0] =	ssyncadd.s32 @!p0 s1  }
0xd7: {  	[bflag:$0x3] =	sbarrier.arrive $0xFFFF  }
0xd8: {  	_ =	shalt  }

</sc_bundles>
